<compile_context>
chip_gen: v7x
topology: tpu7x:2x2x1
jax: 0.10.2.dev20260603
libtpu: 0.0.44.dev20260713+nightly
codegen_flags: <defaults>
</compile_context>

<pallas_src>
import functools

import jax
import jax.numpy as jnp
from jax import lax
from jax.experimental import pallas as pl
from jax.experimental.pallas import tpu as pltpu
from jax.experimental.pallas import tpu_sc as plsc

_N = 50000
_E = 800000
_G = 16
_H = 64

_NACC = 50048
_ROWS_PER_TILE = _NACC // 16
_EPAD = 819200
_IDX_ROWS = _EPAD // 128
_IDX_ROWS_PER_TILE = _IDX_ROWS // 16
_GROUPS = _IDX_ROWS_PER_TILE // 8


def _agg64_body(h0, h1, h2, h3, row2d, col2d, zeros, out0, out1, out2, out3,
                rbuf, cbuf, rows_v, acc, semg, sems):
    c = lax.axis_index("c")
    s = lax.axis_index("s")

    def do_quarter(h_hbm, out_hbm):
        sl = pl.ds(s * _ROWS_PER_TILE, _ROWS_PER_TILE)
        pltpu.sync_copy(zeros.at[sl], acc.at[sl])
        plsc.subcore_barrier()

        def body(g, carry):
            r0 = s * _IDX_ROWS_PER_TILE + g * 8
            pltpu.sync_copy(row2d.at[pl.ds(r0, 8)], rbuf)
            pltpu.sync_copy(col2d.at[pl.ds(r0, 8)], cbuf)
            gh = [pltpu.async_copy(h_hbm.at[rbuf.at[j]],
                                   rows_v.at[pl.ds(j * 128, 128)], semg)
                  for j in range(8)]
            for h in gh:
                h.wait()
            sh = [pltpu.async_copy(rows_v.at[pl.ds(j * 128, 128)],
                                   acc.at[cbuf.at[j]], sems, add=True)
                  for j in range(8)]
            for h in sh:
                h.wait()
            return carry

        lax.fori_loop(0, _GROUPS, body, 0)
        plsc.subcore_barrier()
        pltpu.sync_copy(acc.at[sl], out_hbm.at[sl])

    @pl.when(c == 0)
    def _():
        do_quarter(h0, out0)
        do_quarter(h1, out1)

    @pl.when(c == 1)
    def _():
        do_quarter(h2, out2)
        do_quarter(h3, out3)


@jax.jit
def _sc_agg64(h0, h1, h2, h3, row2d, col2d, zeros):
    mesh = plsc.VectorSubcoreMesh(core_axis_name="c", subcore_axis_name="s")
    k = functools.partial(
        pl.kernel,
        mesh=mesh,
        out_type=tuple(jax.ShapeDtypeStruct((_NACC, 16), jnp.float32)
                       for _ in range(4)),
        scratch_types=[
            pltpu.VMEM((8, 128), jnp.int32),
            pltpu.VMEM((8, 128), jnp.int32),
            pltpu.VMEM((1024, 16), jnp.float32),
            pltpu.VMEM_SHARED((_NACC, 16), jnp.float32),
            pltpu.SemaphoreType.DMA,
            pltpu.SemaphoreType.DMA,
        ],
        compiler_params=pltpu.CompilerParams(use_tc_tiling_on_sc=False),
    )(_agg64_body)
    return k(h0, h1, h2, h3, row2d, col2d, zeros)


def _seg_sum_feat(h, row2d, col2d, zeros):
    outs = _sc_agg64(h[:, :16], h[:, 16:32], h[:, 32:48], h[:, 48:],
                     row2d, col2d, zeros)
    return jnp.concatenate([o[:_N] for o in outs], axis=1)



def _seg2_body(srcA, srcB, row2d, col2d, zeros1, outA, outB,
               rbuf, cbuf, gv, acc, semg, sems):
    c = lax.axis_index("c")
    s = lax.axis_index("s")
    sl = pl.ds(s * _ROWS_PER_TILE, _ROWS_PER_TILE)

    def run(src, out_hbm):
        pltpu.sync_copy(zeros1.at[sl], acc.at[sl])
        plsc.subcore_barrier()

        def body(g, carry):
            r0 = s * _IDX_ROWS_PER_TILE + g * 8
            pltpu.sync_copy(row2d.at[pl.ds(r0, 8)], rbuf)
            pltpu.sync_copy(col2d.at[pl.ds(r0, 8)], cbuf)
            gh = [pltpu.async_copy(src.at[rbuf.at[j]],
                                   gv.at[pl.ds(j * 128, 128)], semg)
                  for j in range(8)]
            for h in gh:
                h.wait()
            sh = [pltpu.async_copy(gv.at[pl.ds(j * 128, 128)],
                                   acc.at[cbuf.at[j]], sems, add=True)
                  for j in range(8)]
            for h in sh:
                h.wait()
            return carry
        lax.fori_loop(0, _GROUPS, body, 0)
        plsc.subcore_barrier()
        pltpu.sync_copy(acc.at[sl], out_hbm.at[sl])

    @pl.when(c == 0)
    def _():
        run(srcA, outA)

    @pl.when(c == 1)
    def _():
        run(srcB, outB)


@jax.jit
def _sc_seg2(srcA, srcB, row2d, col2d, zeros1):
    mesh = plsc.VectorSubcoreMesh(core_axis_name="c", subcore_axis_name="s")
    k = functools.partial(
        pl.kernel,
        mesh=mesh,
        out_type=(jax.ShapeDtypeStruct((_NACC,), jnp.float32),
                  jax.ShapeDtypeStruct((_NACC,), jnp.float32)),
        scratch_types=[
            pltpu.VMEM((8, 128), jnp.int32),
            pltpu.VMEM((8, 128), jnp.int32),
            pltpu.VMEM((1024,), jnp.float32),
            pltpu.VMEM_SHARED((_NACC,), jnp.float32),
            pltpu.SemaphoreType.DMA,
            pltpu.SemaphoreType.DMA,
        ],
        compiler_params=pltpu.CompilerParams(use_tc_tiling_on_sc=False),
    )(_seg2_body)
    return k(srcA, srcB, row2d, col2d, zeros1)


_CGROUPS = _IDX_ROWS // 32 // 8


def _contrib_body(aw_hbm, probs_hbm, row2d, col2d, zeros1, o0, o1,
                  rbuf, cbuf, awv, pcv, cvals, acc, semg, sems):
    c = lax.axis_index("c")
    s = lax.axis_index("s")
    wid = c * 16 + s
    sl = pl.ds(s * _ROWS_PER_TILE, _ROWS_PER_TILE)
    pltpu.sync_copy(zeros1.at[sl], acc.at[sl])
    plsc.subcore_barrier()

    def body(g, carry):
        r0 = wid * (_CGROUPS * 8) + g * 8
        pltpu.sync_copy(row2d.at[pl.ds(r0, 8)], rbuf)
        pltpu.sync_copy(col2d.at[pl.ds(r0, 8)], cbuf)
        gh = []
        for j in range(8):
            gh.append(pltpu.async_copy(aw_hbm.at[rbuf.at[j]], awv.at[j], semg))
            gh.append(pltpu.async_copy(probs_hbm.at[cbuf.at[j]], pcv.at[j], semg))
        for h in gh:
            h.wait()
        for j in range(8):
            for kk in range(8):
                di = pl.ds(kk * 16, 16)
                contrib = awv[j, di] * pcv[j, di]
                msk = rbuf[j, di] != cbuf[j, di]
                cvals[j, di] = jnp.where(msk, contrib, 0.0)
        sh = [pltpu.async_copy(cvals.at[j], acc.at[rbuf.at[j]], sems, add=True)
              for j in range(8)]
        for h in sh:
            h.wait()
        return carry

    lax.fori_loop(0, _CGROUPS, body, 0)
    plsc.subcore_barrier()

    @pl.when(c == 0)
    def _():
        pltpu.sync_copy(acc.at[sl], o0.at[sl])

    @pl.when(c == 1)
    def _():
        pltpu.sync_copy(acc.at[sl], o1.at[sl])


@jax.jit
def _sc_contrib(aw, probs_pad, row2d, col2d, zeros1):
    mesh = plsc.VectorSubcoreMesh(core_axis_name="c", subcore_axis_name="s")
    k = functools.partial(
        pl.kernel,
        mesh=mesh,
        out_type=(jax.ShapeDtypeStruct((_NACC,), jnp.float32),
                  jax.ShapeDtypeStruct((_NACC,), jnp.float32)),
        scratch_types=[
            pltpu.VMEM((8, 128), jnp.int32),
            pltpu.VMEM((8, 128), jnp.int32),
            pltpu.VMEM((8, 128), jnp.float32),
            pltpu.VMEM((8, 128), jnp.float32),
            pltpu.VMEM((8, 128), jnp.float32),
            pltpu.VMEM_SHARED((_NACC,), jnp.float32),
            pltpu.SemaphoreType.DMA,
            pltpu.SemaphoreType.DMA,
        ],
        compiler_params=pltpu.CompilerParams(use_tc_tiling_on_sc=False,
                                             needs_layout_passes=False),
    )(_contrib_body)
    return k(aw, probs_pad, row2d, col2d, zeros1)





_NB = 25
_BS = _N // _NB


def _leaky(v):
    return jnp.where(v >= 0.0, v, 0.01 * v)


def _mlp64_body(haa, w1, b1, w2, b2, out):
    z = jnp.maximum(jnp.dot(haa[:], w1[:],
                            preferred_element_type=jnp.float32) + b1[:][None, :], 0.0)
    out[:] = jnp.maximum(jnp.dot(z, w2[:],
                                 preferred_element_type=jnp.float32) + b2[:][None, :], 0.0)


@jax.jit
def _tc_mlp64(haa, w1, b1, w2, b2):
    return pl.pallas_call(
        _mlp64_body,
        grid=(_NB,),
        in_specs=[pl.BlockSpec((_BS, _H), lambda i: (i, 0)),
                  pl.BlockSpec((_H, _H), lambda i: (0, 0)),
                  pl.BlockSpec((_H,), lambda i: (0,)),
                  pl.BlockSpec((_H, _H), lambda i: (0, 0)),
                  pl.BlockSpec((_H,), lambda i: (0,))],
        out_specs=pl.BlockSpec((_BS, _H), lambda i: (i, 0)),
        out_shape=jax.ShapeDtypeStruct((_N, _H), jnp.float32),
    )(haa, w1, b1, w2, b2)


def _mlp1_body(xa, w1, b1, w2, b2, out):
    z = jnp.maximum(xa[:] * w1[:][0][None, :] + b1[:][None, :], 0.0)
    out[:] = jnp.maximum(jnp.dot(z, w2[:],
                                 preferred_element_type=jnp.float32) + b2[:][None, :], 0.0)


@jax.jit
def _tc_mlp1(xa, w1, b1, w2, b2):
    return pl.pallas_call(
        _mlp1_body,
        grid=(_NB,),
        in_specs=[pl.BlockSpec((_BS, 1), lambda i: (i, 0)),
                  pl.BlockSpec((1, _H), lambda i: (0, 0)),
                  pl.BlockSpec((_H,), lambda i: (0,)),
                  pl.BlockSpec((_H, _H), lambda i: (0, 0)),
                  pl.BlockSpec((_H,), lambda i: (0,))],
        out_specs=pl.BlockSpec((_BS, _H), lambda i: (i, 0)),
        out_shape=jax.ShapeDtypeStruct((_N, _H), jnp.float32),
    )(xa, w1, b1, w2, b2)


def _headmm_body(h, m3, lw1, lb1, lw2, lb2, out):
    t = _leaky(jnp.dot(h[:], lw1[:],
                       preferred_element_type=jnp.float32) + lb1[:][None, :])
    t = t * m3[:]
    hf = _leaky(jnp.dot(t, lw2[:],
                        preferred_element_type=jnp.float32) + lb2[:][None, :])
    out[:] = hf * m3[:]


@jax.jit
def _tc_headmm(h, m3, lw1, lb1, lw2, lb2):
    return pl.pallas_call(
        _headmm_body,
        grid=(_NB,),
        in_specs=[pl.BlockSpec((_BS, _H), lambda i: (i, 0)),
                  pl.BlockSpec((_BS, 1), lambda i: (i, 0)),
                  pl.BlockSpec((_H, 8), lambda i: (0, 0)),
                  pl.BlockSpec((8,), lambda i: (0,)),
                  pl.BlockSpec((8, 1), lambda i: (0, 0)),
                  pl.BlockSpec((1,), lambda i: (0,))],
        out_specs=pl.BlockSpec((_BS, 1), lambda i: (i, 0)),
        out_shape=jax.ShapeDtypeStruct((_N, 1), jnp.float32),
    )(h, m3, lw1, lb1, lw2, lb2)


def _bn(h, g, b):
    mean = jnp.mean(h, axis=0)
    var = jnp.var(h, axis=0)
    return (h - mean) / jnp.sqrt(var + 1e-5) * g + b


def kernel(x, weights, params, edge_index, batch):
    row, col = edge_index[0], edge_index[1]
    gnorm = float(_N) ** -0.5

    pad = _EPAD - _E
    row_p = jnp.concatenate([row, jnp.zeros((pad,), jnp.int32)])
    col_p = jnp.concatenate(
        [col, _N + (jnp.arange(pad, dtype=jnp.int32) % (_NACC - _N))])
    row2d = row_p.reshape(_IDX_ROWS, 128)
    col2d = col_p.reshape(_IDX_ROWS, 128)
    zeros = jnp.zeros((_NACC, 16), jnp.float32)
    zeros1 = jnp.zeros((_NACC,), jnp.float32)
    x_pad = jnp.concatenate([x, jnp.zeros((_NACC - _N,), jnp.float32)])

    ind0 = jnp.where(jnp.abs(x_pad) > 0.0, 1.0, 0.0)
    s_ind0, agg1p = _sc_seg2(ind0, x_pad, row2d, col2d, zeros1)
    m1p = jnp.minimum(ind0 + s_ind0, 1.0)
    s_m1, s_m1b = _sc_seg2(m1p, m1p, row2d, col2d, zeros1)
    m2p = jnp.minimum(m1p + s_m1, 1.0)
    s_m2, s_m2b = _sc_seg2(m2p, m2p, row2d, col2d, zeros1)
    m3p = jnp.minimum(m2p + s_m2, 1.0)
    m1, m2, m3 = m1p[:_N], m2p[:_N], m3p[:_N]
    p = params["conv1"]
    xa = (1.0 + p["eps"]) * x + agg1p[:_N]
    z = _tc_mlp1(xa[:, None], p["w1"], p["b1"], p["w2"], p["b2"])
    h = jax.nn.leaky_relu(_bn(z, p["bn_g"], p["bn_b"]))
    h = h * m1[:, None] * gnorm
    h = _bn(h, params["bn1"]["g"], params["bn1"]["b"])

    for p, bn, mk in zip(params["convs"], params["bns"], (m2, m3)):
        agg = _seg_sum_feat(h, row2d, col2d, zeros)
        haa = (1.0 + p["eps"]) * h + agg
        z = _tc_mlp64(haa, p["w1"], p["b1"], p["w2"], p["b2"])
        z = _bn(z, p["bn_g"], p["bn_b"])
        h = h + jax.nn.leaky_relu(z)
        h = h * mk[:, None] * gnorm
        h = _bn(h, bn["g"], bn["b"])

    hf = _tc_headmm(h, m3[:, None], params["lin1"]["w"], params["lin1"]["b"],
                    params["lin2"]["w"], params["lin2"]["b"])[:, 0]

    onehot = (batch[:, None] == jnp.arange(_G)[None, :])
    gmax = jnp.max(jnp.where(onehot, hf[:, None], -jnp.inf), axis=0)
    gmin = jnp.min(jnp.where(onehot, hf[:, None], jnp.inf), axis=0)
    bmax = gmax[batch]
    bmin = gmin[batch]
    probs = (hf - bmin) / (bmax + 1e-6 - bmin)

    ohf = onehot.astype(jnp.float32)
    s = probs @ ohf
    ss = (probs * probs) @ ohf
    pairwise = (s * s) / 2.0
    selfs = ss

    zpad = jnp.zeros((_NACC - _N,), jnp.float32)
    aw = jnp.concatenate([weights * probs, zpad])
    probs_pad = jnp.concatenate([probs, zpad])
    e0, e1 = _sc_contrib(aw, probs_pad, row2d, col2d, zeros1)
    ewn = e0[:_N] + e1[:_N]
    ewg = (ewn @ ohf) / 2.0
    ecw = pairwise - selfs
    ed = ecw - ewg
    loss = 0.25 * ed * 0.5 - 0.5 * ewg
    return (probs, loss, ewg.mean(), ecw.mean(), ed.mean(), loss.mean())

# --- scband reference (transcript-rebuilt; emitter-appended) ---
"""Pipeline reference for scband-clique-mpnn-46256797778564 (READ-ONLY COPY).

The authoritative reference and input builder live on the scoring server;
editing this copy changes nothing except your own understanding.
"""

import jax, jax.numpy as jnp
import numpy as np

N = 50000
E = 800000
G = 16
H = 64
H1 = 8
NUM_LAYERS = 3


def _linear_init(key, fan_in, fan_out):
    k1, k2 = jax.random.split(key)
    lim = 1.0 / np.sqrt(fan_in)
    w = jax.random.uniform(k1, (fan_in, fan_out), minval=-lim, maxval=lim, dtype=jnp.float32)
    b = jax.random.uniform(k2, (fan_out,), minval=-lim, maxval=lim, dtype=jnp.float32)
    return w, b


def setup_inputs(seed: int = 0):
    key = jax.random.key(seed)
    ks = jax.random.split(key, 20)
    x = jax.random.uniform(ks[0], (N,), dtype=jnp.float32)
    edge_index = jax.random.randint(ks[1], (2, E), 0, N, dtype=jnp.int32)
    batch = jnp.sort(jax.random.randint(ks[2], (N,), 0, G, dtype=jnp.int32))
    weights = jax.random.uniform(ks[3], (N,), dtype=jnp.float32)

    def gin_params(k, in_dim):
        ka, kb = jax.random.split(k)
        w1, b1 = _linear_init(ka, in_dim, H)
        w2, b2 = _linear_init(kb, H, H)
        return {"eps": jnp.zeros(()), "w1": w1, "b1": b1, "w2": w2, "b2": b2,
                "bn_g": jnp.ones((H,)), "bn_b": jnp.zeros((H,))}

    params = {
        "conv1": gin_params(ks[4], 1),
        "convs": [gin_params(ks[5], H), gin_params(ks[6], H)],
        "bns": [{"g": jnp.ones((H,)), "b": jnp.zeros((H,))} for _ in range(NUM_LAYERS - 1)],
        "bn1": {"g": jnp.ones((H,)), "b": jnp.zeros((H,))},
    }
    w, b = _linear_init(ks[7], H, H1)
    params["lin1"] = {"w": w, "b": b}
    w, b = _linear_init(ks[8], H1, 1)
    params["lin2"] = {"w": w, "b": b}
    return {"x": x, "weights": weights, "params": params,
            "edge_index": edge_index, "batch": batch}


def _batch_norm(h, g, b):
    mean = jnp.mean(h, axis=0)
    var = jnp.var(h, axis=0)
    return (h - mean) / jnp.sqrt(var + 1e-5) * g + b


def _gin(h, row, col, p):
    agg = jax.ops.segment_sum(h[row], col, num_segments=N)
    z = (1.0 + p["eps"]) * h + agg
    z = jax.nn.relu(z @ p["w1"] + p["b1"])
    z = jax.nn.relu(z @ p["w2"] + p["b2"])
    return _batch_norm(z, p["bn_g"], p["bn_b"])


def _get_mask(h, row, col, hops):
    ind = (jnp.abs(h).sum(axis=-1) > 0).astype(jnp.float32)
    for _ in range(hops):
        nb = jax.ops.segment_max(ind[row], col, num_segments=N)
        nb = jnp.where(jnp.isfinite(nb), nb, 0.0)
        ind = jnp.maximum(ind, nb)
    return ind[:, None]


def _forward(x, weights, params, edge_index, batch):
    row, col = edge_index[0], edge_index[1]
    gnorm = float(N) ** -0.5  # GraphSizeNorm with batch=None -> one graph of size N
    h = x[:, None]
    mask = _get_mask(h, row, col, 1)
    h = jax.nn.leaky_relu(_gin(h, row, col, params["conv1"]))
    h = h * mask
    h = h * gnorm
    h = _batch_norm(h, params["bn1"]["g"], params["bn1"]["b"])
    for p, bn in zip(params["convs"], params["bns"]):
        h = h + jax.nn.leaky_relu(_gin(h, row, col, p))
        mask = _get_mask(mask, row, col, 1)
        h = h * mask
        h = h * gnorm
        h = _batch_norm(h, bn["g"], bn["b"])
    h = jax.nn.leaky_relu(h @ params["lin1"]["w"] + params["lin1"]["b"])
    h = h * mask
    h = jax.nn.leaky_relu(h @ params["lin2"]["w"] + params["lin2"]["b"])
    h = h * mask
    bmax = jax.ops.segment_max(h, batch, num_segments=N)[batch]
    bmin = jax.ops.segment_min(h, batch, num_segments=N)[batch]
    probs = (h - bmin) / (bmax + 1e-6 - bmin)
    # sum of conv1d pairwise products per graph == (sum probs)^2, identical math
    s = jax.ops.segment_sum(probs, batch, num_segments=G)
    pairwise_prodsums = (s * s) / 2.0
    self_sums = jax.ops.segment_sum(probs * probs, batch, num_segments=G)
    noloop = (row != col).astype(jnp.float32)[:, None]
    contrib = noloop * weights[row][:, None] * probs[row] * probs[col]
    expected_weight_G = jax.ops.segment_sum(contrib, batch[row], num_segments=G) / 2.0
    expected_clique_weight = pairwise_prodsums - self_sums
    expected_distance = expected_clique_weight - expected_weight_G
    expected_loss = 0.25 * expected_distance * 0.5 - 0.5 * expected_weight_G
    return probs, expected_loss, expected_weight_G, expected_clique_weight, expected_distance


def reference(x, weights, params, edge_index, batch):
    probs, loss, ewg, ecw, ed = _forward(x, weights, params, edge_index, batch)
    return (probs[:, 0], loss[:, 0], ewg.mean(), ecw.mean(), ed.mean(), loss.mean())

if __name__ == "__main__":
    import jax
    _d = setup_inputs()
    print(jax.jit(kernel)(*tuple(_d.values())))

</pallas_src>

<mosaic_0001>
#map = affine_map<(d0, d1) -> (0)>
#map1 = affine_map<(d0, d1) -> (0, 0)>
module attributes {stable_mosaic.version = 14 : i64} {
  func.func @_seg2_body(%arg0: i32, %arg1: i32, %arg2: memref<50048xf32, #tpu.memory_space<hbm>>, %arg3: memref<50048xf32, #tpu.memory_space<hbm>>, %arg4: memref<6400x128xi32, #tpu.memory_space<hbm>>, %arg5: memref<6400x128xi32, #tpu.memory_space<hbm>>, %arg6: memref<50048xf32, #tpu.memory_space<hbm>>, %arg7: memref<50048xf32, #tpu.memory_space<hbm>>, %arg8: memref<50048xf32, #tpu.memory_space<hbm>>, %arg9: memref<8x128xi32, #tpu.memory_space<vmem>>, %arg10: memref<8x128xi32, #tpu.memory_space<vmem>>, %arg11: memref<1024xf32, #tpu.memory_space<vmem>>, %arg12: memref<50048xf32, #tpu.memory_space<vmem_shared>>, %arg13: memref<!tpu.dma_semaphore, #tpu.memory_space<semaphore_mem>>, %arg14: memref<!tpu.dma_semaphore, #tpu.memory_space<semaphore_mem>>) attributes {dimension_semantics = [#tpu.dimension_semantics<core_parallel>, #tpu.dimension_semantics<subcore_parallel>], iteration_bounds = array<i64: 2, 16>, scalar_prefetch = 0 : i64, scratch_operands = 6 : i64, tpu.core_type = #tpu.core_type<sc_vector_subcore>, window_params = [{transform_indices = #map}, {transform_indices = #map}, {transform_indices = #map1}, {transform_indices = #map1}, {transform_indices = #map}, {transform_indices = #map}, {transform_indices = #map}]} {
    %mul3A = arith.constant 3128 : i32
    %mul3A_0 = arith.muli %arg1, %mul3A : i32
    %eq3A = arith.constant 0 : i32
    %eq3A_1 = arith.cmpi eq, %arg0, %eq3A : i32
    %convert_element_type3A = arith.extui %eq3A_1 : i1 to i32
    %cond3A = arith.constant 0 : i32
    %cond3A_2 = arith.cmpi ne, %convert_element_type3A, %cond3A : i32
    scf.if %cond3A_2 {
      "tpu.region"() ({
        %run_scoped3A = tpu.sem_alloc : memref<!tpu.dma_semaphore, #tpu.memory_space<semaphore_mem>>
        %dma_start3A = tpu.memref_slice %arg12[%mul3A_0] : memref<50048xf32, #tpu.memory_space<vmem_shared>> -> memref<3128xf32, #tpu.memory_space<vmem_shared>>
        %dma_start3A_14 = tpu.memref_slice %arg6[%mul3A_0] : memref<50048xf32, #tpu.memory_space<hbm>> -> memref<3128xf32, #tpu.memory_space<hbm>>
        tpu.enqueue_dma source(%dma_start3A_14 : memref<3128xf32, #tpu.memory_space<hbm>>) target(%dma_start3A : memref<3128xf32, #tpu.memory_space<vmem_shared>>) target_semaphore(%run_scoped3A : memref<!tpu.dma_semaphore, #tpu.memory_space<semaphore_mem>>)
        %dma_wait3A = tpu.memref_slice %arg12[%mul3A_0] : memref<50048xf32, #tpu.memory_space<vmem_shared>> -> memref<3128xf32, #tpu.memory_space<vmem_shared>>
        %dma_wait3A_15 = tpu.memref_slice %arg6[%mul3A_0] : memref<50048xf32, #tpu.memory_space<hbm>> -> memref<3128xf32, #tpu.memory_space<hbm>>
        tpu.wait_dma2 semaphore(%run_scoped3A : memref<!tpu.dma_semaphore, #tpu.memory_space<semaphore_mem>>) src(%dma_wait3A_15 : memref<3128xf32, #tpu.memory_space<hbm>>) dst(%dma_wait3A : memref<3128xf32, #tpu.memory_space<vmem_shared>>)
        tpu.yield
      }) : () -> ()
      %barrier3A = arith.constant 0 : index
      tpu.barrier barrier_id(%barrier3A)
      %scan3A = arith.constant 0 : i32
      %scan3A_8 = arith.constant 0 : i32
      %scan3A_9 = arith.constant 50 : i32
      %scan3A_10 = arith.addi %scan3A_8, %scan3A_9 : i32
      %scan3A_11 = arith.constant 1 : i32
      scf.for %scan3A_14 = %scan3A_8 to %scan3A_10 step %scan3A_11  : i32 {
        %mul3A_15 = arith.constant 400 : i32
        %mul3A_16 = arith.muli %arg1, %mul3A_15 : i32
        %mul3A_17 = arith.constant 8 : i32
        %mul3A_18 = arith.muli %scan3A_14, %mul3A_17 : i32
        %add3A = arith.addi %mul3A_16, %mul3A_18 : i32
        "tpu.region"() ({
          %run_scoped3A = tpu.sem_alloc : memref<!tpu.dma_semaphore, #tpu.memory_space<semaphore_mem>>
          %dma_start3A_273 = arith.constant 0 : i32
          %dma_start3A_274 = tpu.memref_slice %arg4[%add3A, %dma_start3A_273] : memref<6400x128xi32, #tpu.memory_space<hbm>> -> memref<8x128xi32, #tpu.memory_space<hbm>>
          %dma_start3A_275 = arith.constant 0 : i32
          %dma_start3A_276 = tpu.memref_slice %arg4[%add3A, %dma_start3A_275] : memref<6400x128xi32, #tpu.memory_space<hbm>> -> memref<8x128xi32, #tpu.memory_space<hbm>>
          tpu.enqueue_dma source(%dma_start3A_276 : memref<8x128xi32, #tpu.memory_space<hbm>>) target(%arg9 : memref<8x128xi32, #tpu.memory_space<vmem>>) target_semaphore(%run_scoped3A : memref<!tpu.dma_semaphore, #tpu.memory_space<semaphore_mem>>)
          %dma_wait3A_277 = arith.constant 0 : i32
          %dma_wait3A_278 = tpu.memref_slice %arg4[%add3A, %dma_wait3A_277] : memref<6400x128xi32, #tpu.memory_space<hbm>> -> memref<8x128xi32, #tpu.memory_space<hbm>>
          %dma_wait3A_279 = arith.constant 0 : i32
          %dma_wait3A_280 = tpu.memref_slice %arg4[%add3A, %dma_wait3A_279] : memref<6400x128xi32, #tpu.memory_space<hbm>> -> memref<8x128xi32, #tpu.memory_space<hbm>>
          tpu.wait_dma2 semaphore(%run_scoped3A : memref<!tpu.dma_semaphore, #tpu.memory_space<semaphore_mem>>) src(%dma_wait3A_280 : memref<8x128xi32, #tpu.memory_space<hbm>>) dst(%arg9 : memref<8x128xi32, #tpu.memory_space<vmem>>)
          tpu.yield
        }) : () -> ()
        "tpu.region"() ({
          %run_scoped3A = tpu.sem_alloc : memref<!tpu.dma_semaphore, #tpu.memory_space<semaphore_mem>>
          %dma_start3A_273 = arith.constant 0 : i32
          %dma_start3A_274 = tpu.memref_slice %arg5[%add3A, %dma_start3A_273] : memref<6400x128xi32, #tpu.memory_space<hbm>> -> memref<8x128xi32, #tpu.memory_space<hbm>>
          %dma_start3A_275 = arith.constant 0 : i32
          %dma_start3A_276 = tpu.memref_slice %arg5[%add3A, %dma_start3A_275] : memref<6400x128xi32, #tpu.memory_space<hbm>> -> memref<8x128xi32, #tpu.memory_space<hbm>>
          tpu.enqueue_dma source(%dma_start3A_276 : memref<8x128xi32, #tpu.memory_space<hbm>>) target(%arg10 : memref<8x128xi32, #tpu.memory_space<vmem>>) target_semaphore(%run_scoped3A : memref<!tpu.dma_semaphore, #tpu.memory_space<semaphore_mem>>)
          %dma_wait3A_277 = arith.constant 0 : i32
          %dma_wait3A_278 = tpu.memref_slice %arg5[%add3A, %dma_wait3A_277] : memref<6400x128xi32, #tpu.memory_space<hbm>> -> memref<8x128xi32, #tpu.memory_space<hbm>>
          %dma_wait3A_279 = arith.constant 0 : i32
          %dma_wait3A_280 = tpu.memref_slice %arg5[%add3A, %dma_wait3A_279] : memref<6400x128xi32, #tpu.memory_space<hbm>> -> memref<8x128xi32, #tpu.memory_space<hbm>>
          tpu.wait_dma2 semaphore(%run_scoped3A : memref<!tpu.dma_semaphore, #tpu.memory_space<semaphore_mem>>) src(%dma_wait3A_280 : memref<8x128xi32, #tpu.memory_space<hbm>>) dst(%arg10 : memref<8x128xi32, #tpu.memory_space<vmem>>)
          tpu.yield
        }) : () -> ()
        %dma_start3A = arith.constant 0 : i32
        %dma_start3A_19 = arith.constant 0 : i32
        %dma_start3A_20 = tpu.memref_slice %arg11[%dma_start3A_19] : memref<1024xf32, #tpu.memory_space<vmem>> -> memref<128xf32, #tpu.memory_space<vmem>>
        %dma_start3A_21 = arith.constant 0 : i32
        %dma_start3A_22 = tpu.memref_slice %arg9[%dma_start3A, %dma_start3A_21] : memref<8x128xi32, #tpu.memory_space<vmem>> -> memref<1x128xi32, #tpu.memory_space<vmem>>
        %dma_start3A_23 = tpu.memref_squeeze %dma_start3A_22 : memref<1x128xi32, #tpu.memory_space<vmem>> -> memref<128xi32, #tpu.memory_space<vmem>>
        %dma_start3A_24 = arith.constant 0 : i32
        %dma_start3A_25 = tpu.memref_slice %arg2[%dma_start3A_24] : memref<50048xf32, #tpu.memory_space<hbm>> -> memref<50048xf32, #tpu.memory_space<hbm>>
        tpu.enqueue_indirect_dma source(%dma_start3A_25 : memref<50048xf32, #tpu.memory_space<hbm>>) target(%dma_start3A_20 : memref<128xf32, #tpu.memory_space<vmem>>) offsets(%dma_start3A_23 : memref<128xi32, #tpu.memory_space<vmem>>) semaphore(%arg13 : memref<!tpu.dma_semaphore, #tpu.memory_space<semaphore_mem>>)
        %dma_start3A_26 = arith.constant 1 : i32
        %dma_start3A_27 = arith.constant 128 : i32
        %dma_start3A_28 = tpu.memref_slice %arg11[%dma_start3A_27] : memref<1024xf32, #tpu.memory_space<vmem>> -> memref<128xf32, #tpu.memory_space<vmem>>
        %dma_start3A_29 = arith.constant 0 : i32
        %dma_start3A_30 = tpu.memref_slice %arg9[%dma_start3A_26, %dma_start3A_29] : memref<8x128xi32, #tpu.memory_space<vmem>> -> memref<1x128xi32, #tpu.memory_space<vmem>>
        %dma_start3A_31 = tpu.memref_squeeze %dma_start3A_30 : memref<1x128xi32, #tpu.memory_space<vmem>> -> memref<128xi32, #tpu.memory_space<vmem>>
        %dma_start3A_32 = arith.constant 0 : i32
        %dma_start3A_33 = tpu.memref_slice %arg2[%dma_start3A_32] : memref<50048xf32, #tpu.memory_space<hbm>> -> memref<50048xf32, #tpu.memory_space<hbm>>
        tpu.enqueue_indirect_dma source(%dma_start3A_33 : memref<50048xf32, #tpu.memory_space<hbm>>) target(%dma_start3A_28 : memref<128xf32, #tpu.memory_space<vmem>>) offsets(%dma_start3A_31 : memref<128xi32, #tpu.memory_space<vmem>>) semaphore(%arg13 : memref<!tpu.dma_semaphore, #tpu.memory_space<semaphore_mem>>)
        %dma_start3A_34 = arith.constant 2 : i32
        %dma_start3A_35 = arith.constant 256 : i32
        %dma_start3A_36 = tpu.memref_slice %arg11[%dma_start3A_35] : memref<1024xf32, #tpu.memory_space<vmem>> -> memref<128xf32, #tpu.memory_space<vmem>>
        %dma_start3A_37 = arith.constant 0 : i32
        %dma_start3A_38 = tpu.memref_slice %arg9[%dma_start3A_34, %dma_start3A_37] : memref<8x128xi32, #tpu.memory_space<vmem>> -> memref<1x128xi32, #tpu.memory_space<vmem>>
        %dma_start3A_39 = tpu.memref_squeeze %dma_start3A_38 : memref<1x128xi32, #tpu.memory_space<vmem>> -> memref<128xi32, #tpu.memory_space<vmem>>
        %dma_start3A_40 = arith.constant 0 : i32
        %dma_start3A_41 = tpu.memref_slice %arg2[%dma_start3A_40] : memref<50048xf32, #tpu.memory_space<hbm>> -> memref<50048xf32, #tpu.memory_space<hbm>>
        tpu.enqueue_indirect_dma source(%dma_start3A_41 : memref<50048xf32, #tpu.memory_space<hbm>>) target(%dma_start3A_36 : memref<128xf32, #tpu.memory_space<vmem>>) offsets(%dma_start3A_39 : memref<128xi32, #tpu.memory_space<vmem>>) semaphore(%arg13 : memref<!tpu.dma_semaphore, #tpu.memory_space<semaphore_mem>>)
        %dma_start3A_42 = arith.constant 3 : i32
        %dma_start3A_43 = arith.constant 384 : i32
        %dma_start3A_44 = tpu.memref_slice %arg11[%dma_start3A_43] : memref<1024xf32, #tpu.memory_space<vmem>> -> memref<128xf32, #tpu.memory_space<vmem>>
        %dma_start3A_45 = arith.constant 0 : i32
        %dma_start3A_46 = tpu.memref_slice %arg9[%dma_start3A_42, %dma_start3A_45] : memref<8x128xi32, #tpu.memory_space<vmem>> -> memref<1x128xi32, #tpu.memory_space<vmem>>
        %dma_start3A_47 = tpu.memref_squeeze %dma_start3A_46 : memref<1x128xi32, #tpu.memory_space<vmem>> -> memref<128xi32, #tpu.memory_space<vmem>>
        %dma_start3A_48 = arith.constant 0 : i32
        %dma_start3A_49 = tpu.memref_slice %arg2[%dma_start3A_48] : memref<50048xf32, #tpu.memory_space<hbm>> -> memref<50048xf32, #tpu.memory_space<hbm>>
        tpu.enqueue_indirect_dma source(%dma_start3A_49 : memref<50048xf32, #tpu.memory_space<hbm>>) target(%dma_start3A_44 : memref<128xf32, #tpu.memory_space<vmem>>) offsets(%dma_start3A_47 : memref<128xi32, #tpu.memory_space<vmem>>) semaphore(%arg13 : memref<!tpu.dma_semaphore, #tpu.memory_space<semaphore_mem>>)
        %dma_start3A_50 = arith.constant 4 : i32
        %dma_start3A_51 = arith.constant 512 : i32
        %dma_start3A_52 = tpu.memref_slice %arg11[%dma_start3A_51] : memref<1024xf32, #tpu.memory_space<vmem>> -> memref<128xf32, #tpu.memory_space<vmem>>
        %dma_start3A_53 = arith.constant 0 : i32
        %dma_start3A_54 = tpu.memref_slice %arg9[%dma_start3A_50, %dma_start3A_53] : memref<8x128xi32, #tpu.memory_space<vmem>> -> memref<1x128xi32, #tpu.memory_space<vmem>>
        %dma_start3A_55 = tpu.memref_squeeze %dma_start3A_54 : memref<1x128xi32, #tpu.memory_space<vmem>> -> memref<128xi32, #tpu.memory_space<vmem>>
        %dma_start3A_56 = arith.constant 0 : i32
        %dma_start3A_57 = tpu.memref_slice %arg2[%dma_start3A_56] : memref<50048xf32, #tpu.memory_space<hbm>> -> memref<50048xf32, #tpu.memory_space<hbm>>
        tpu.enqueue_indirect_dma source(%dma_start3A_57 : memref<50048xf32, #tpu.memory_space<hbm>>) target(%dma_start3A_52 : memref<128xf32, #tpu.memory_space<vmem>>) offsets(%dma_start3A_55 : memref<128xi32, #tpu.memory_space<vmem>>) semaphore(%arg13 : memref<!tpu.dma_semaphore, #tpu.memory_space<semaphore_mem>>)
        %dma_start3A_58 = arith.constant 5 : i32
        %dma_start3A_59 = arith.constant 640 : i32
        %dma_start3A_60 = tpu.memref_slice %arg11[%dma_start3A_59] : memref<1024xf32, #tpu.memory_space<vmem>> -> memref<128xf32, #tpu.memory_space<vmem>>
        %dma_start3A_61 = arith.constant 0 : i32
        %dma_start3A_62 = tpu.memref_slice %arg9[%dma_start3A_58, %dma_start3A_61] : memref<8x128xi32, #tpu.memory_space<vmem>> -> memref<1x128xi32, #tpu.memory_space<vmem>>
        %dma_start3A_63 = tpu.memref_squeeze %dma_start3A_62 : memref<1x128xi32, #tpu.memory_space<vmem>> -> memref<128xi32, #tpu.memory_space<vmem>>
        %dma_start3A_64 = arith.constant 0 : i32
        %dma_start3A_65 = tpu.memref_slice %arg2[%dma_start3A_64] : memref<50048xf32, #tpu.memory_space<hbm>> -> memref<50048xf32, #tpu.memory_space<hbm>>
        tpu.enqueue_indirect_dma source(%dma_start3A_65 : memref<50048xf32, #tpu.memory_space<hbm>>) target(%dma_start3A_60 : memref<128xf32, #tpu.memory_space<vmem>>) offsets(%dma_start3A_63 : memref<128xi32, #tpu.memory_space<vmem>>) semaphore(%arg13 : memref<!tpu.dma_semaphore, #tpu.memory_space<semaphore_mem>>)
        %dma_start3A_66 = arith.constant 6 : i32
        %dma_start3A_67 = arith.constant 768 : i32
        %dma_start3A_68 = tpu.memref_slice %arg11[%dma_start3A_67] : memref<1024xf32, #tpu.memory_space<vmem>> -> memref<128xf32, #tpu.memory_space<vmem>>
        %dma_start3A_69 = arith.constant 0 : i32
        %dma_start3A_70 = tpu.memref_slice %arg9[%dma_start3A_66, %dma_start3A_69] : memref<8x128xi32, #tpu.memory_space<vmem>> -> memref<1x128xi32, #tpu.memory_space<vmem>>
        %dma_start3A_71 = tpu.memref_squeeze %dma_start3A_70 : memref<1x128xi32, #tpu.memory_space<vmem>> -> memref<128xi32, #tpu.memory_space<vmem>>
        %dma_start3A_72 = arith.constant 0 : i32
        %dma_start3A_73 = tpu.memref_slice %arg2[%dma_start3A_72] : memref<50048xf32, #tpu.memory_space<hbm>> -> memref<50048xf32, #tpu.memory_space<hbm>>
        tpu.enqueue_indirect_dma source(%dma_start3A_73 : memref<50048xf32, #tpu.memory_space<hbm>>) target(%dma_start3A_68 : memref<128xf32, #tpu.memory_space<vmem>>) offsets(%dma_start3A_71 : memref<128xi32, #tpu.memory_space<vmem>>) semaphore(%arg13 : memref<!tpu.dma_semaphore, #tpu.memory_space<semaphore_mem>>)
        %dma_start3A_74 = arith.constant 7 : i32
        %dma_start3A_75 = arith.constant 896 : i32
        %dma_start3A_76 = tpu.memref_slice %arg11[%dma_start3A_75] : memref<1024xf32, #tpu.memory_space<vmem>> -> memref<128xf32, #tpu.memory_space<vmem>>
        %dma_start3A_77 = arith.constant 0 : i32
        %dma_start3A_78 = tpu.memref_slice %arg9[%dma_start3A_74, %dma_start3A_77] : memref<8x128xi32, #tpu.memory_space<vmem>> -> memref<1x128xi32, #tpu.memory_space<vmem>>
        %dma_start3A_79 = tpu.memref_squeeze %dma_start3A_78 : memref<1x128xi32, #tpu.memory_space<vmem>> -> memref<128xi32, #tpu.memory_space<vmem>>
        %dma_start3A_80 = arith.constant 0 : i32
        %dma_start3A_81 = tpu.memref_slice %arg2[%dma_start3A_80] : memref<50048xf32, #tpu.memory_space<hbm>> -> memref<50048xf32, #tpu.memory_space<hbm>>
        tpu.enqueue_indirect_dma source(%dma_start3A_81 : memref<50048xf32, #tpu.memory_space<hbm>>) target(%dma_start3A_76 : memref<128xf32, #tpu.memory_space<vmem>>) offsets(%dma_start3A_79 : memref<128xi32, #tpu.memory_space<vmem>>) semaphore(%arg13 : memref<!tpu.dma_semaphore, #tpu.memory_space<semaphore_mem>>)
        %dma_wait3A = arith.constant 0 : i32
        %dma_wait3A_82 = arith.constant 0 : i32
        %dma_wait3A_83 = tpu.memref_slice %arg11[%dma_wait3A_82] : memref<1024xf32, #tpu.memory_space<vmem>> -> memref<128xf32, #tpu.memory_space<vmem>>
        %dma_wait3A_84 = arith.constant 0 : i32
        %dma_wait3A_85 = tpu.memref_slice %arg9[%dma_wait3A, %dma_wait3A_84] : memref<8x128xi32, #tpu.memory_space<vmem>> -> memref<1x128xi32, #tpu.memory_space<vmem>>
        %dma_wait3A_86 = tpu.memref_squeeze %dma_wait3A_85 : memref<1x128xi32, #tpu.memory_space<vmem>> -> memref<128xi32, #tpu.memory_space<vmem>>
        %dma_wait3A_87 = arith.constant 0 : i32
        %dma_wait3A_88 = tpu.memref_slice %arg2[%dma_wait3A_87] : memref<50048xf32, #tpu.memory_space<hbm>> -> memref<50048xf32, #tpu.memory_space<hbm>>
        tpu.wait_indirect_dma semaphore(%arg13 : memref<!tpu.dma_semaphore, #tpu.memory_space<semaphore_mem>>) src(%dma_wait3A_88 : memref<50048xf32, #tpu.memory_space<hbm>>) dst(%dma_wait3A_83 : memref<128xf32, #tpu.memory_space<vmem>>)
        %dma_wait3A_89 = arith.constant 1 : i32
        %dma_wait3A_90 = arith.constant 128 : i32
        %dma_wait3A_91 = tpu.memref_slice %arg11[%dma_wait3A_90] : memref<1024xf32, #tpu.memory_space<vmem>> -> memref<128xf32, #tpu.memory_space<vmem>>
        %dma_wait3A_92 = arith.constant 0 : i32
        %dma_wait3A_93 = tpu.memref_slice %arg9[%dma_wait3A_89, %dma_wait3A_92] : memref<8x128xi32, #tpu.memory_space<vmem>> -> memref<1x128xi32, #tpu.memory_space<vmem>>
        %dma_wait3A_94 = tpu.memref_squeeze %dma_wait3A_93 : memref<1x128xi32, #tpu.memory_space<vmem>> -> memref<128xi32, #tpu.memory_space<vmem>>
        %dma_wait3A_95 = arith.constant 0 : i32
        %dma_wait3A_96 = tpu.memref_slice %arg2[%dma_wait3A_95] : memref<50048xf32, #tpu.memory_space<hbm>> -> memref<50048xf32, #tpu.memory_space<hbm>>
        tpu.wait_indirect_dma semaphore(%arg13 : memref<!tpu.dma_semaphore, #tpu.memory_space<semaphore_mem>>) src(%dma_wait3A_96 : memref<50048xf32, #tpu.memory_space<hbm>>) dst(%dma_wait3A_91 : memref<128xf32, #tpu.memory_space<vmem>>)
        %dma_wait3A_97 = arith.constant 2 : i32
        %dma_wait3A_98 = arith.constant 256 : i32
        %dma_wait3A_99 = tpu.memref_slice %arg11[%dma_wait3A_98] : memref<1024xf32, #tpu.memory_space<vmem>> -> memref<128xf32, #tpu.memory_space<vmem>>
        %dma_wait3A_100 = arith.constant 0 : i32
        %dma_wait3A_101 = tpu.memref_slice %arg9[%dma_wait3A_97, %dma_wait3A_100] : memref<8x128xi32, #tpu.memory_space<vmem>> -> memref<1x128xi32, #tpu.memory_space<vmem>>
        %dma_wait3A_102 = tpu.memref_squeeze %dma_wait3A_101 : memref<1x128xi32, #tpu.memory_space<vmem>> -> memref<128xi32, #tpu.memory_space<vmem>>
        %dma_wait3A_103 = arith.constant 0 : i32
        %dma_wait3A_104 = tpu.memref_slice %arg2[%dma_wait3A_103] : memref<50048xf32, #tpu.memory_space<hbm>> -> memref<50048xf32, #tpu.memory_space<hbm>>
        tpu.wait_indirect_dma semaphore(%arg13 : memref<!tpu.dma_semaphore, #tpu.memory_space<semaphore_mem>>) src(%dma_wait3A_104 : memref<50048xf32, #tpu.memory_space<hbm>>) dst(%dma_wait3A_99 : memref<128xf32, #tpu.memory_space<vmem>>)
        %dma_wait3A_105 = arith.constant 3 : i32
        %dma_wait3A_106 = arith.constant 384 : i32
        %dma_wait3A_107 = tpu.memref_slice %arg11[%dma_wait3A_106] : memref<1024xf32, #tpu.memory_space<vmem>> -> memref<128xf32, #tpu.memory_space<vmem>>
        %dma_wait3A_108 = arith.constant 0 : i32
        %dma_wait3A_109 = tpu.memref_slice %arg9[%dma_wait3A_105, %dma_wait3A_108] : memref<8x128xi32, #tpu.memory_space<vmem>> -> memref<1x128xi32, #tpu.memory_space<vmem>>
        %dma_wait3A_110 = tpu.memref_squeeze %dma_wait3A_109 : memref<1x128xi32, #tpu.memory_space<vmem>> -> memref<128xi32, #tpu.memory_space<vmem>>
        %dma_wait3A_111 = arith.constant 0 : i32
        %dma_wait3A_112 = tpu.memref_slice %arg2[%dma_wait3A_111] : memref<50048xf32, #tpu.memory_space<hbm>> -> memref<50048xf32, #tpu.memory_space<hbm>>
        tpu.wait_indirect_dma semaphore(%arg13 : memref<!tpu.dma_semaphore, #tpu.memory_space<semaphore_mem>>) src(%dma_wait3A_112 : memref<50048xf32, #tpu.memory_space<hbm>>) dst(%dma_wait3A_107 : memref<128xf32, #tpu.memory_space<vmem>>)
        %dma_wait3A_113 = arith.constant 4 : i32
        %dma_wait3A_114 = arith.constant 512 : i32
        %dma_wait3A_115 = tpu.memref_slice %arg11[%dma_wait3A_114] : memref<1024xf32, #tpu.memory_space<vmem>> -> memref<128xf32, #tpu.memory_space<vmem>>
        %dma_wait3A_116 = arith.constant 0 : i32
        %dma_wait3A_117 = tpu.memref_slice %arg9[%dma_wait3A_113, %dma_wait3A_116] : memref<8x128xi32, #tpu.memory_space<vmem>> -> memref<1x128xi32, #tpu.memory_space<vmem>>
        %dma_wait3A_118 = tpu.memref_squeeze %dma_wait3A_117 : memref<1x128xi32, #tpu.memory_space<vmem>> -> memref<128xi32, #tpu.memory_space<vmem>>
        %dma_wait3A_119 = arith.constant 0 : i32
        %dma_wait3A_120 = tpu.memref_slice %arg2[%dma_wait3A_119] : memref<50048xf32, #tpu.memory_space<hbm>> -> memref<50048xf32, #tpu.memory_space<hbm>>
        tpu.wait_indirect_dma semaphore(%arg13 : memref<!tpu.dma_semaphore, #tpu.memory_space<semaphore_mem>>) src(%dma_wait3A_120 : memref<50048xf32, #tpu.memory_space<hbm>>) dst(%dma_wait3A_115 : memref<128xf32, #tpu.memory_space<vmem>>)
        %dma_wait3A_121 = arith.constant 5 : i32
        %dma_wait3A_122 = arith.constant 640 : i32
        %dma_wait3A_123 = tpu.memref_slice %arg11[%dma_wait3A_122] : memref<1024xf32, #tpu.memory_space<vmem>> -> memref<128xf32, #tpu.memory_space<vmem>>
        %dma_wait3A_124 = arith.constant 0 : i32
        %dma_wait3A_125 = tpu.memref_slice %arg9[%dma_wait3A_121, %dma_wait3A_124] : memref<8x128xi32, #tpu.memory_space<vmem>> -> memref<1x128xi32, #tpu.memory_space<vmem>>
        %dma_wait3A_126 = tpu.memref_squeeze %dma_wait3A_125 : memref<1x128xi32, #tpu.memory_space<vmem>> -> memref<128xi32, #tpu.memory_space<vmem>>
        %dma_wait3A_127 = arith.constant 0 : i32
        %dma_wait3A_128 = tpu.memref_slice %arg2[%dma_wait3A_127] : memref<50048xf32, #tpu.memory_space<hbm>> -> memref<50048xf32, #tpu.memory_space<hbm>>
        tpu.wait_indirect_dma semaphore(%arg13 : memref<!tpu.dma_semaphore, #tpu.memory_space<semaphore_mem>>) src(%dma_wait3A_128 : memref<50048xf32, #tpu.memory_space<hbm>>) dst(%dma_wait3A_123 : memref<128xf32, #tpu.memory_space<vmem>>)
        %dma_wait3A_129 = arith.constant 6 : i32
        %dma_wait3A_130 = arith.constant 768 : i32
        %dma_wait3A_131 = tpu.memref_slice %arg11[%dma_wait3A_130] : memref<1024xf32, #tpu.memory_space<vmem>> -> memref<128xf32, #tpu.memory_space<vmem>>
        %dma_wait3A_132 = arith.constant 0 : i32
        %dma_wait3A_133 = tpu.memref_slice %arg9[%dma_wait3A_129, %dma_wait3A_132] : memref<8x128xi32, #tpu.memory_space<vmem>> -> memref<1x128xi32, #tpu.memory_space<vmem>>
        %dma_wait3A_134 = tpu.memref_squeeze %dma_wait3A_133 : memref<1x128xi32, #tpu.memory_space<vmem>> -> memref<128xi32, #tpu.memory_space<vmem>>
        %dma_wait3A_135 = arith.constant 0 : i32
        %dma_wait3A_136 = tpu.memref_slice %arg2[%dma_wait3A_135] : memref<50048xf32, #tpu.memory_space<hbm>> -> memref<50048xf32, #tpu.memory_space<hbm>>
        tpu.wait_indirect_dma semaphore(%arg13 : memref<!tpu.dma_semaphore, #tpu.memory_space<semaphore_mem>>) src(%dma_wait3A_136 : memref<50048xf32, #tpu.memory_space<hbm>>) dst(%dma_wait3A_131 : memref<128xf32, #tpu.memory_space<vmem>>)
        %dma_wait3A_137 = arith.constant 7 : i32
        %dma_wait3A_138 = arith.constant 896 : i32
        %dma_wait3A_139 = tpu.memref_slice %arg11[%dma_wait3A_138] : memref<1024xf32, #tpu.memory_space<vmem>> -> memref<128xf32, #tpu.memory_space<vmem>>
        %dma_wait3A_140 = arith.constant 0 : i32
        %dma_wait3A_141 = tpu.memref_slice %arg9[%dma_wait3A_137, %dma_wait3A_140] : memref<8x128xi32, #tpu.memory_space<vmem>> -> memref<1x128xi32, #tpu.memory_space<vmem>>
        %dma_wait3A_142 = tpu.memref_squeeze %dma_wait3A_141 : memref<1x128xi32, #tpu.memory_space<vmem>> -> memref<128xi32, #tpu.memory_space<vmem>>
        %dma_wait3A_143 = arith.constant 0 : i32
        %dma_wait3A_144 = tpu.memref_slice %arg2[%dma_wait3A_143] : memref<50048xf32, #tpu.memory_space<hbm>> -> memref<50048xf32, #tpu.memory_space<hbm>>
        tpu.wait_indirect_dma semaphore(%arg13 : memref<!tpu.dma_semaphore, #tpu.memory_space<semaphore_mem>>) src(%dma_wait3A_144 : memref<50048xf32, #tpu.memory_space<hbm>>) dst(%dma_wait3A_139 : memref<128xf32, #tpu.memory_space<vmem>>)
        %dma_start3A_145 = arith.constant 0 : i32
        %dma_start3A_146 = arith.constant 0 : i32
        %dma_start3A_147 = tpu.memref_slice %arg11[%dma_start3A_146] : memref<1024xf32, #tpu.memory_space<vmem>> -> memref<128xf32, #tpu.memory_space<vmem>>
        %dma_start3A_148 = arith.constant 0 : i32
        %dma_start3A_149 = tpu.memref_slice %arg10[%dma_start3A_145, %dma_start3A_148] : memref<8x128xi32, #tpu.memory_space<vmem>> -> memref<1x128xi32, #tpu.memory_space<vmem>>
        %dma_start3A_150 = tpu.memref_squeeze %dma_start3A_149 : memref<1x128xi32, #tpu.memory_space<vmem>> -> memref<128xi32, #tpu.memory_space<vmem>>
        %dma_start3A_151 = arith.constant 0 : i32
        %dma_start3A_152 = tpu.memref_slice %arg12[%dma_start3A_151] : memref<50048xf32, #tpu.memory_space<vmem_shared>> -> memref<50048xf32, #tpu.memory_space<vmem_shared>>
        tpu.enqueue_indirect_dma source(%dma_start3A_147 : memref<128xf32, #tpu.memory_space<vmem>>) target(%dma_start3A_152 : memref<50048xf32, #tpu.memory_space<vmem_shared>>) offsets(%dma_start3A_150 : memref<128xi32, #tpu.memory_space<vmem>>) semaphore(%arg14 : memref<!tpu.dma_semaphore, #tpu.memory_space<semaphore_mem>>) {add = true}
        %dma_start3A_153 = arith.constant 1 : i32
        %dma_start3A_154 = arith.constant 128 : i32
        %dma_start3A_155 = tpu.memref_slice %arg11[%dma_start3A_154] : memref<1024xf32, #tpu.memory_space<vmem>> -> memref<128xf32, #tpu.memory_space<vmem>>
        %dma_start3A_156 = arith.constant 0 : i32
        %dma_start3A_157 = tpu.memref_slice %arg10[%dma_start3A_153, %dma_start3A_156] : memref<8x128xi32, #tpu.memory_space<vmem>> -> memref<1x128xi32, #tpu.memory_space<vmem>>
        %dma_start3A_158 = tpu.memref_squeeze %dma_start3A_157 : memref<1x128xi32, #tpu.memory_space<vmem>> -> memref<128xi32, #tpu.memory_space<vmem>>
        %dma_start3A_159 = arith.constant 0 : i32
        %dma_start3A_160 = tpu.memref_slice %arg12[%dma_start3A_159] : memref<50048xf32, #tpu.memory_space<vmem_shared>> -> memref<50048xf32, #tpu.memory_space<vmem_shared>>
        tpu.enqueue_indirect_dma source(%dma_start3A_155 : memref<128xf32, #tpu.memory_space<vmem>>) target(%dma_start3A_160 : memref<50048xf32, #tpu.memory_space<vmem_shared>>) offsets(%dma_start3A_158 : memref<128xi32, #tpu.memory_space<vmem>>) semaphore(%arg14 : memref<!tpu.dma_semaphore, #tpu.memory_space<semaphore_mem>>) {add = true}
        %dma_start3A_161 = arith.constant 2 : i32
        %dma_start3A_162 = arith.constant 256 : i32
        %dma_start3A_163 = tpu.memref_slice %arg11[%dma_start3A_162] : memref<1024xf32, #tpu.memory_space<vmem>> -> memref<128xf32, #tpu.memory_space<vmem>>
        %dma_start3A_164 = arith.constant 0 : i32
        %dma_start3A_165 = tpu.memref_slice %arg10[%dma_start3A_161, %dma_start3A_164] : memref<8x128xi32, #tpu.memory_space<vmem>> -> memref<1x128xi32, #tpu.memory_space<vmem>>
        %dma_start3A_166 = tpu.memref_squeeze %dma_start3A_165 : memref<1x128xi32, #tpu.memory_space<vmem>> -> memref<128xi32, #tpu.memory_space<vmem>>
        %dma_start3A_167 = arith.constant 0 : i32
        %dma_start3A_168 = tpu.memref_slice %arg12[%dma_start3A_167] : memref<50048xf32, #tpu.memory_space<vmem_shared>> -> memref<50048xf32, #tpu.memory_space<vmem_shared>>
        tpu.enqueue_indirect_dma source(%dma_start3A_163 : memref<128xf32, #tpu.memory_space<vmem>>) target(%dma_start3A_168 : memref<50048xf32, #tpu.memory_space<vmem_shared>>) offsets(%dma_start3A_166 : memref<128xi32, #tpu.memory_space<vmem>>) semaphore(%arg14 : memref<!tpu.dma_semaphore, #tpu.memory_space<semaphore_mem>>) {add = true}
        %dma_start3A_169 = arith.constant 3 : i32
        %dma_start3A_170 = arith.constant 384 : i32
        %dma_start3A_171 = tpu.memref_slice %arg11[%dma_start3A_170] : memref<1024xf32, #tpu.memory_space<vmem>> -> memref<128xf32, #tpu.memory_space<vmem>>
        %dma_start3A_172 = arith.constant 0 : i32
        %dma_start3A_173 = tpu.memref_slice %arg10[%dma_start3A_169, %dma_start3A_172] : memref<8x128xi32, #tpu.memory_space<vmem>> -> memref<1x128xi32, #tpu.memory_space<vmem>>
        %dma_start3A_174 = tpu.memref_squeeze %dma_start3A_173 : memref<1x128xi32, #tpu.memory_space<vmem>> -> memref<128xi32, #tpu.memory_space<vmem>>
        %dma_start3A_175 = arith.constant 0 : i32
        %dma_start3A_176 = tpu.memref_slice %arg12[%dma_start3A_175] : memref<50048xf32, #tpu.memory_space<vmem_shared>> -> memref<50048xf32, #tpu.memory_space<vmem_shared>>
        tpu.enqueue_indirect_dma source(%dma_start3A_171 : memref<128xf32, #tpu.memory_space<vmem>>) target(%dma_start3A_176 : memref<50048xf32, #tpu.memory_space<vmem_shared>>) offsets(%dma_start3A_174 : memref<128xi32, #tpu.memory_space<vmem>>) semaphore(%arg14 : memref<!tpu.dma_semaphore, #tpu.memory_space<semaphore_mem>>) {add = true}
        %dma_start3A_177 = arith.constant 4 : i32
        %dma_start3A_178 = arith.constant 512 : i32
        %dma_start3A_179 = tpu.memref_slice %arg11[%dma_start3A_178] : memref<1024xf32, #tpu.memory_space<vmem>> -> memref<128xf32, #tpu.memory_space<vmem>>
        %dma_start3A_180 = arith.constant 0 : i32
        %dma_start3A_181 = tpu.memref_slice %arg10[%dma_start3A_177, %dma_start3A_180] : memref<8x128xi32, #tpu.memory_space<vmem>> -> memref<1x128xi32, #tpu.memory_space<vmem>>
        %dma_start3A_182 = tpu.memref_squeeze %dma_start3A_181 : memref<1x128xi32, #tpu.memory_space<vmem>> -> memref<128xi32, #tpu.memory_space<vmem>>
        %dma_start3A_183 = arith.constant 0 : i32
        %dma_start3A_184 = tpu.memref_slice %arg12[%dma_start3A_183] : memref<50048xf32, #tpu.memory_space<vmem_shared>> -> memref<50048xf32, #tpu.memory_space<vmem_shared>>
        tpu.enqueue_indirect_dma source(%dma_start3A_179 : memref<128xf32, #tpu.memory_space<vmem>>) target(%dma_start3A_184 : memref<50048xf32, #tpu.memory_space<vmem_shared>>) offsets(%dma_start3A_182 : memref<128xi32, #tpu.memory_space<vmem>>) semaphore(%arg14 : memref<!tpu.dma_semaphore, #tpu.memory_space<semaphore_mem>>) {add = true}
        %dma_start3A_185 = arith.constant 5 : i32
        %dma_start3A_186 = arith.constant 640 : i32
        %dma_start3A_187 = tpu.memref_slice %arg11[%dma_start3A_186] : memref<1024xf32, #tpu.memory_space<vmem>> -> memref<128xf32, #tpu.memory_space<vmem>>
        %dma_start3A_188 = arith.constant 0 : i32
        %dma_start3A_189 = tpu.memref_slice %arg10[%dma_start3A_185, %dma_start3A_188] : memref<8x128xi32, #tpu.memory_space<vmem>> -> memref<1x128xi32, #tpu.memory_space<vmem>>
        %dma_start3A_190 = tpu.memref_squeeze %dma_start3A_189 : memref<1x128xi32, #tpu.memory_space<vmem>> -> memref<128xi32, #tpu.memory_space<vmem>>
        %dma_start3A_191 = arith.constant 0 : i32
        %dma_start3A_192 = tpu.memref_slice %arg12[%dma_start3A_191] : memref<50048xf32, #tpu.memory_space<vmem_shared>> -> memref<50048xf32, #tpu.memory_space<vmem_shared>>
        tpu.enqueue_indirect_dma source(%dma_start3A_187 : memref<128xf32, #tpu.memory_space<vmem>>) target(%dma_start3A_192 : memref<50048xf32, #tpu.memory_space<vmem_shared>>) offsets(%dma_start3A_190 : memref<128xi32, #tpu.memory_space<vmem>>) semaphore(%arg14 : memref<!tpu.dma_semaphore, #tpu.memory_space<semaphore_mem>>) {add = true}
        %dma_start3A_193 = arith.constant 6 : i32
        %dma_start3A_194 = arith.constant 768 : i32
        %dma_start3A_195 = tpu.memref_slice %arg11[%dma_start3A_194] : memref<1024xf32, #tpu.memory_space<vmem>> -> memref<128xf32, #tpu.memory_space<vmem>>
        %dma_start3A_196 = arith.constant 0 : i32
        %dma_start3A_197 = tpu.memref_slice %arg10[%dma_start3A_193, %dma_start3A_196] : memref<8x128xi32, #tpu.memory_space<vmem>> -> memref<1x128xi32, #tpu.memory_space<vmem>>
        %dma_start3A_198 = tpu.memref_squeeze %dma_start3A_197 : memref<1x128xi32, #tpu.memory_space<vmem>> -> memref<128xi32, #tpu.memory_space<vmem>>
        %dma_start3A_199 = arith.constant 0 : i32
        %dma_start3A_200 = tpu.memref_slice %arg12[%dma_start3A_199] : memref<50048xf32, #tpu.memory_space<vmem_shared>> -> memref<50048xf32, #tpu.memory_space<vmem_shared>>
        tpu.enqueue_indirect_dma source(%dma_start3A_195 : memref<128xf32, #tpu.memory_space<vmem>>) target(%dma_start3A_200 : memref<50048xf32, #tpu.memory_space<vmem_shared>>) offsets(%dma_start3A_198 : memref<128xi32, #tpu.memory_space<vmem>>) semaphore(%arg14 : memref<!tpu.dma_semaphore, #tpu.memory_space<semaphore_mem>>) {add = true}
        %dma_start3A_201 = arith.constant 7 : i32
        %dma_start3A_202 = arith.constant 896 : i32
        %dma_start3A_203 = tpu.memref_slice %arg11[%dma_start3A_202] : memref<1024xf32, #tpu.memory_space<vmem>> -> memref<128xf32, #tpu.memory_space<vmem>>
        %dma_start3A_204 = arith.constant 0 : i32
        %dma_start3A_205 = tpu.memref_slice %arg10[%dma_start3A_201, %dma_start3A_204] : memref<8x128xi32, #tpu.memory_space<vmem>> -> memref<1x128xi32, #tpu.memory_space<vmem>>
        %dma_start3A_206 = tpu.memref_squeeze %dma_start3A_205 : memref<1x128xi32, #tpu.memory_space<vmem>> -> memref<128xi32, #tpu.memory_space<vmem>>
        %dma_start3A_207 = arith.constant 0 : i32
        %dma_start3A_208 = tpu.memref_slice %arg12[%dma_start3A_207] : memref<50048xf32, #tpu.memory_space<vmem_shared>> -> memref<50048xf32, #tpu.memory_space<vmem_shared>>
        tpu.enqueue_indirect_dma source(%dma_start3A_203 : memref<128xf32, #tpu.memory_space<vmem>>) target(%dma_start3A_208 : memref<50048xf32, #tpu.memory_space<vmem_shared>>) offsets(%dma_start3A_206 : memref<128xi32, #tpu.memory_space<vmem>>) semaphore(%arg14 : memref<!tpu.dma_semaphore, #tpu.memory_space<semaphore_mem>>) {add = true}
        %dma_wait3A_209 = arith.constant 0 : i32
        %dma_wait3A_210 = arith.constant 0 : i32
        %dma_wait3A_211 = tpu.memref_slice %arg11[%dma_wait3A_210] : memref<1024xf32, #tpu.memory_space<vmem>> -> memref<128xf32, #tpu.memory_space<vmem>>
        %dma_wait3A_212 = arith.constant 0 : i32
        %dma_wait3A_213 = tpu.memref_slice %arg10[%dma_wait3A_209, %dma_wait3A_212] : memref<8x128xi32, #tpu.memory_space<vmem>> -> memref<1x128xi32, #tpu.memory_space<vmem>>
        %dma_wait3A_214 = tpu.memref_squeeze %dma_wait3A_213 : memref<1x128xi32, #tpu.memory_space<vmem>> -> memref<128xi32, #tpu.memory_space<vmem>>
        %dma_wait3A_215 = arith.constant 0 : i32
        %dma_wait3A_216 = tpu.memref_slice %arg12[%dma_wait3A_215] : memref<50048xf32, #tpu.memory_space<vmem_shared>> -> memref<50048xf32, #tpu.memory_space<vmem_shared>>
        tpu.wait_indirect_dma semaphore(%arg14 : memref<!tpu.dma_semaphore, #tpu.memory_space<semaphore_mem>>) src(%dma_wait3A_211 : memref<128xf32, #tpu.memory_space<vmem>>) dst(%dma_wait3A_216 : memref<50048xf32, #tpu.memory_space<vmem_shared>>)
        %dma_wait3A_217 = arith.constant 1 : i32
        %dma_wait3A_218 = arith.constant 128 : i32
        %dma_wait3A_219 = tpu.memref_slice %arg11[%dma_wait3A_218] : memref<1024xf32, #tpu.memory_space<vmem>> -> memref<128xf32, #tpu.memory_space<vmem>>
        %dma_wait3A_220 = arith.constant 0 : i32
        %dma_wait3A_221 = tpu.memref_slice %arg10[%dma_wait3A_217, %dma_wait3A_220] : memref<8x128xi32, #tpu.memory_space<vmem>> -> memref<1x128xi32, #tpu.memory_space<vmem>>
        %dma_wait3A_222 = tpu.memref_squeeze %dma_wait3A_221 : memref<1x128xi32, #tpu.memory_space<vmem>> -> memref<128xi32, #tpu.memory_space<vmem>>
        %dma_wait3A_223 = arith.constant 0 : i32
        %dma_wait3A_224 = tpu.memref_slice %arg12[%dma_wait3A_223] : memref<50048xf32, #tpu.memory_space<vmem_shared>> -> memref<50048xf32, #tpu.memory_space<vmem_shared>>
        tpu.wait_indirect_dma semaphore(%arg14 : memref<!tpu.dma_semaphore, #tpu.memory_space<semaphore_mem>>) src(%dma_wait3A_219 : memref<128xf32, #tpu.memory_space<vmem>>) dst(%dma_wait3A_224 : memref<50048xf32, #tpu.memory_space<vmem_shared>>)
        %dma_wait3A_225 = arith.constant 2 : i32
        %dma_wait3A_226 = arith.constant 256 : i32
        %dma_wait3A_227 = tpu.memref_slice %arg11[%dma_wait3A_226] : memref<1024xf32, #tpu.memory_space<vmem>> -> memref<128xf32, #tpu.memory_space<vmem>>
        %dma_wait3A_228 = arith.constant 0 : i32
        %dma_wait3A_229 = tpu.memref_slice %arg10[%dma_wait3A_225, %dma_wait3A_228] : memref<8x128xi32, #tpu.memory_space<vmem>> -> memref<1x128xi32, #tpu.memory_space<vmem>>
        %dma_wait3A_230 = tpu.memref_squeeze %dma_wait3A_229 : memref<1x128xi32, #tpu.memory_space<vmem>> -> memref<128xi32, #tpu.memory_space<vmem>>
        %dma_wait3A_231 = arith.constant 0 : i32
        %dma_wait3A_232 = tpu.memref_slice %arg12[%dma_wait3A_231] : memref<50048xf32, #tpu.memory_space<vmem_shared>> -> memref<50048xf32, #tpu.memory_space<vmem_shared>>
        tpu.wait_indirect_dma semaphore(%arg14 : memref<!tpu.dma_semaphore, #tpu.memory_space<semaphore_mem>>) src(%dma_wait3A_227 : memref<128xf32, #tpu.memory_space<vmem>>) dst(%dma_wait3A_232 : memref<50048xf32, #tpu.memory_space<vmem_shared>>)
        %dma_wait3A_233 = arith.constant 3 : i32
        %dma_wait3A_234 = arith.constant 384 : i32
        %dma_wait3A_235 = tpu.memref_slice %arg11[%dma_wait3A_234] : memref<1024xf32, #tpu.memory_space<vmem>> -> memref<128xf32, #tpu.memory_space<vmem>>
        %dma_wait3A_236 = arith.constant 0 : i32
        %dma_wait3A_237 = tpu.memref_slice %arg10[%dma_wait3A_233, %dma_wait3A_236] : memref<8x128xi32, #tpu.memory_space<vmem>> -> memref<1x128xi32, #tpu.memory_space<vmem>>
        %dma_wait3A_238 = tpu.memref_squeeze %dma_wait3A_237 : memref<1x128xi32, #tpu.memory_space<vmem>> -> memref<128xi32, #tpu.memory_space<vmem>>
        %dma_wait3A_239 = arith.constant 0 : i32
        %dma_wait3A_240 = tpu.memref_slice %arg12[%dma_wait3A_239] : memref<50048xf32, #tpu.memory_space<vmem_shared>> -> memref<50048xf32, #tpu.memory_space<vmem_shared>>
        tpu.wait_indirect_dma semaphore(%arg14 : memref<!tpu.dma_semaphore, #tpu.memory_space<semaphore_mem>>) src(%dma_wait3A_235 : memref<128xf32, #tpu.memory_space<vmem>>) dst(%dma_wait3A_240 : memref<50048xf32, #tpu.memory_space<vmem_shared>>)
        %dma_wait3A_241 = arith.constant 4 : i32
        %dma_wait3A_242 = arith.constant 512 : i32
        %dma_wait3A_243 = tpu.memref_slice %arg11[%dma_wait3A_242] : memref<1024xf32, #tpu.memory_space<vmem>> -> memref<128xf32, #tpu.memory_space<vmem>>
        %dma_wait3A_244 = arith.constant 0 : i32
        %dma_wait3A_245 = tpu.memref_slice %arg10[%dma_wait3A_241, %dma_wait3A_244] : memref<8x128xi32, #tpu.memory_space<vmem>> -> memref<1x128xi32, #tpu.memory_space<vmem>>
        %dma_wait3A_246 = tpu.memref_squeeze %dma_wait3A_245 : memref<1x128xi32, #tpu.memory_space<vmem>> -> memref<128xi32, #tpu.memory_space<vmem>>
        %dma_wait3A_247 = arith.constant 0 : i32
        %dma_wait3A_248 = tpu.memref_slice %arg12[%dma_wait3A_247] : memref<50048xf32, #tpu.memory_space<vmem_shared>> -> memref<50048xf32, #tpu.memory_space<vmem_shared>>
        tpu.wait_indirect_dma semaphore(%arg14 : memref<!tpu.dma_semaphore, #tpu.memory_space<semaphore_mem>>) src(%dma_wait3A_243 : memref<128xf32, #tpu.memory_space<vmem>>) dst(%dma_wait3A_248 : memref<50048xf32, #tpu.memory_space<vmem_shared>>)
        %dma_wait3A_249 = arith.constant 5 : i32
        %dma_wait3A_250 = arith.constant 640 : i32
        %dma_wait3A_251 = tpu.memref_slice %arg11[%dma_wait3A_250] : memref<1024xf32, #tpu.memory_space<vmem>> -> memref<128xf32, #tpu.memory_space<vmem>>
        %dma_wait3A_252 = arith.constant 0 : i32
        %dma_wait3A_253 = tpu.memref_slice %arg10[%dma_wait3A_249, %dma_wait3A_252] : memref<8x128xi32, #tpu.memory_space<vmem>> -> memref<1x128xi32, #tpu.memory_space<vmem>>
        %dma_wait3A_254 = tpu.memref_squeeze %dma_wait3A_253 : memref<1x128xi32, #tpu.memory_space<vmem>> -> memref<128xi32, #tpu.memory_space<vmem>>
        %dma_wait3A_255 = arith.constant 0 : i32
        %dma_wait3A_256 = tpu.memref_slice %arg12[%dma_wait3A_255] : memref<50048xf32, #tpu.memory_space<vmem_shared>> -> memref<50048xf32, #tpu.memory_space<vmem_shared>>
        tpu.wait_indirect_dma semaphore(%arg14 : memref<!tpu.dma_semaphore, #tpu.memory_space<semaphore_mem>>) src(%dma_wait3A_251 : memref<128xf32, #tpu.memory_space<vmem>>) dst(%dma_wait3A_256 : memref<50048xf32, #tpu.memory_space<vmem_shared>>)
        %dma_wait3A_257 = arith.constant 6 : i32
        %dma_wait3A_258 = arith.constant 768 : i32
        %dma_wait3A_259 = tpu.memref_slice %arg11[%dma_wait3A_258] : memref<1024xf32, #tpu.memory_space<vmem>> -> memref<128xf32, #tpu.memory_space<vmem>>
        %dma_wait3A_260 = arith.constant 0 : i32
        %dma_wait3A_261 = tpu.memref_slice %arg10[%dma_wait3A_257, %dma_wait3A_260] : memref<8x128xi32, #tpu.memory_space<vmem>> -> memref<1x128xi32, #tpu.memory_space<vmem>>
        %dma_wait3A_262 = tpu.memref_squeeze %dma_wait3A_261 : memref<1x128xi32, #tpu.memory_space<vmem>> -> memref<128xi32, #tpu.memory_space<vmem>>
        %dma_wait3A_263 = arith.constant 0 : i32
        %dma_wait3A_264 = tpu.memref_slice %arg12[%dma_wait3A_263] : memref<50048xf32, #tpu.memory_space<vmem_shared>> -> memref<50048xf32, #tpu.memory_space<vmem_shared>>
        tpu.wait_indirect_dma semaphore(%arg14 : memref<!tpu.dma_semaphore, #tpu.memory_space<semaphore_mem>>) src(%dma_wait3A_259 : memref<128xf32, #tpu.memory_space<vmem>>) dst(%dma_wait3A_264 : memref<50048xf32, #tpu.memory_space<vmem_shared>>)
        %dma_wait3A_265 = arith.constant 7 : i32
        %dma_wait3A_266 = arith.constant 896 : i32
        %dma_wait3A_267 = tpu.memref_slice %arg11[%dma_wait3A_266] : memref<1024xf32, #tpu.memory_space<vmem>> -> memref<128xf32, #tpu.memory_space<vmem>>
        %dma_wait3A_268 = arith.constant 0 : i32
        %dma_wait3A_269 = tpu.memref_slice %arg10[%dma_wait3A_265, %dma_wait3A_268] : memref<8x128xi32, #tpu.memory_space<vmem>> -> memref<1x128xi32, #tpu.memory_space<vmem>>
        %dma_wait3A_270 = tpu.memref_squeeze %dma_wait3A_269 : memref<1x128xi32, #tpu.memory_space<vmem>> -> memref<128xi32, #tpu.memory_space<vmem>>
        %dma_wait3A_271 = arith.constant 0 : i32
        %dma_wait3A_272 = tpu.memref_slice %arg12[%dma_wait3A_271] : memref<50048xf32, #tpu.memory_space<vmem_shared>> -> memref<50048xf32, #tpu.memory_space<vmem_shared>>
        tpu.wait_indirect_dma semaphore(%arg14 : memref<!tpu.dma_semaphore, #tpu.memory_space<semaphore_mem>>) src(%dma_wait3A_267 : memref<128xf32, #tpu.memory_space<vmem>>) dst(%dma_wait3A_272 : memref<50048xf32, #tpu.memory_space<vmem_shared>>)
      }
      %scan3A_12 = arith.constant 50 : i32
      %barrier3A_13 = arith.constant 0 : index
      tpu.barrier barrier_id(%barrier3A_13)
      "tpu.region"() ({
        %run_scoped3A = tpu.sem_alloc : memref<!tpu.dma_semaphore, #tpu.memory_space<semaphore_mem>>
        %dma_start3A = tpu.memref_slice %arg7[%mul3A_0] : memref<50048xf32, #tpu.memory_space<hbm>> -> memref<3128xf32, #tpu.memory_space<hbm>>
        %dma_start3A_14 = tpu.memref_slice %arg12[%mul3A_0] : memref<50048xf32, #tpu.memory_space<vmem_shared>> -> memref<3128xf32, #tpu.memory_space<vmem_shared>>
        tpu.enqueue_dma source(%dma_start3A_14 : memref<3128xf32, #tpu.memory_space<vmem_shared>>) target(%dma_start3A : memref<3128xf32, #tpu.memory_space<hbm>>) target_semaphore(%run_scoped3A : memref<!tpu.dma_semaphore, #tpu.memory_space<semaphore_mem>>)
        %dma_wait3A = tpu.memref_slice %arg7[%mul3A_0] : memref<50048xf32, #tpu.memory_space<hbm>> -> memref<3128xf32, #tpu.memory_space<hbm>>
        %dma_wait3A_15 = tpu.memref_slice %arg12[%mul3A_0] : memref<50048xf32, #tpu.memory_space<vmem_shared>> -> memref<3128xf32, #tpu.memory_space<vmem_shared>>
        tpu.wait_dma2 semaphore(%run_scoped3A : memref<!tpu.dma_semaphore, #tpu.memory_space<semaphore_mem>>) src(%dma_wait3A_15 : memref<3128xf32, #tpu.memory_space<vmem_shared>>) dst(%dma_wait3A : memref<3128xf32, #tpu.memory_space<hbm>>)
        tpu.yield
      }) : () -> ()
    } else {
    }
    %eq3A_3 = arith.constant 1 : i32
    %eq3A_4 = arith.cmpi eq, %arg0, %eq3A_3 : i32
    %convert_element_type3A_5 = arith.extui %eq3A_4 : i1 to i32
    %cond3A_6 = arith.constant 0 : i32
    %cond3A_7 = arith.cmpi ne, %convert_element_type3A_5, %cond3A_6 : i32
    scf.if %cond3A_7 {
      "tpu.region"() ({
        %run_scoped3A = tpu.sem_alloc : memref<!tpu.dma_semaphore, #tpu.memory_space<semaphore_mem>>
        %dma_start3A = tpu.memref_slice %arg12[%mul3A_0] : memref<50048xf32, #tpu.memory_space<vmem_shared>> -> memref<3128xf32, #tpu.memory_space<vmem_shared>>
        %dma_start3A_14 = tpu.memref_slice %arg6[%mul3A_0] : memref<50048xf32, #tpu.memory_space<hbm>> -> memref<3128xf32, #tpu.memory_space<hbm>>
        tpu.enqueue_dma source(%dma_start3A_14 : memref<3128xf32, #tpu.memory_space<hbm>>) target(%dma_start3A : memref<3128xf32, #tpu.memory_space<vmem_shared>>) target_semaphore(%run_scoped3A : memref<!tpu.dma_semaphore, #tpu.memory_space<semaphore_mem>>)
        %dma_wait3A = tpu.memref_slice %arg12[%mul3A_0] : memref<50048xf32, #tpu.memory_space<vmem_shared>> -> memref<3128xf32, #tpu.memory_space<vmem_shared>>
        %dma_wait3A_15 = tpu.memref_slice %arg6[%mul3A_0] : memref<50048xf32, #tpu.memory_space<hbm>> -> memref<3128xf32, #tpu.memory_space<hbm>>
        tpu.wait_dma2 semaphore(%run_scoped3A : memref<!tpu.dma_semaphore, #tpu.memory_space<semaphore_mem>>) src(%dma_wait3A_15 : memref<3128xf32, #tpu.memory_space<hbm>>) dst(%dma_wait3A : memref<3128xf32, #tpu.memory_space<vmem_shared>>)
        tpu.yield
      }) : () -> ()
      %barrier3A = arith.constant 0 : index
      tpu.barrier barrier_id(%barrier3A)
      %scan3A = arith.constant 0 : i32
      %scan3A_8 = arith.constant 0 : i32
      %scan3A_9 = arith.constant 50 : i32
      %scan3A_10 = arith.addi %scan3A_8, %scan3A_9 : i32
      %scan3A_11 = arith.constant 1 : i32
      scf.for %scan3A_14 = %scan3A_8 to %scan3A_10 step %scan3A_11  : i32 {
        %mul3A_15 = arith.constant 400 : i32
        %mul3A_16 = arith.muli %arg1, %mul3A_15 : i32
        %mul3A_17 = arith.constant 8 : i32
        %mul3A_18 = arith.muli %scan3A_14, %mul3A_17 : i32
        %add3A = arith.addi %mul3A_16, %mul3A_18 : i32
        "tpu.region"() ({
          %run_scoped3A = tpu.sem_alloc : memref<!tpu.dma_semaphore, #tpu.memory_space<semaphore_mem>>
          %dma_start3A_273 = arith.constant 0 : i32
          %dma_start3A_274 = tpu.memref_slice %arg4[%add3A, %dma_start3A_273] : memref<6400x128xi32, #tpu.memory_space<hbm>> -> memref<8x128xi32, #tpu.memory_space<hbm>>
          %dma_start3A_275 = arith.constant 0 : i32
          %dma_start3A_276 = tpu.memref_slice %arg4[%add3A, %dma_start3A_275] : memref<6400x128xi32, #tpu.memory_space<hbm>> -> memref<8x128xi32, #tpu.memory_space<hbm>>
          tpu.enqueue_dma source(%dma_start3A_276 : memref<8x128xi32, #tpu.memory_space<hbm>>) target(%arg9 : memref<8x128xi32, #tpu.memory_space<vmem>>) target_semaphore(%run_scoped3A : memref<!tpu.dma_semaphore, #tpu.memory_space<semaphore_mem>>)
          %dma_wait3A_277 = arith.constant 0 : i32
          %dma_wait3A_278 = tpu.memref_slice %arg4[%add3A, %dma_wait3A_277] : memref<6400x128xi32, #tpu.memory_space<hbm>> -> memref<8x128xi32, #tpu.memory_space<hbm>>
          %dma_wait3A_279 = arith.constant 0 : i32
          %dma_wait3A_280 = tpu.memref_slice %arg4[%add3A, %dma_wait3A_279] : memref<6400x128xi32, #tpu.memory_space<hbm>> -> memref<8x128xi32, #tpu.memory_space<hbm>>
          tpu.wait_dma2 semaphore(%run_scoped3A : memref<!tpu.dma_semaphore, #tpu.memory_space<semaphore_mem>>) src(%dma_wait3A_280 : memref<8x128xi32, #tpu.memory_space<hbm>>) dst(%arg9 : memref<8x128xi32, #tpu.memory_space<vmem>>)
          tpu.yield
        }) : () -> ()
        "tpu.region"() ({
          %run_scoped3A = tpu.sem_alloc : memref<!tpu.dma_semaphore, #tpu.memory_space<semaphore_mem>>
          %dma_start3A_273 = arith.constant 0 : i32
          %dma_start3A_274 = tpu.memref_slice %arg5[%add3A, %dma_start3A_273] : memref<6400x128xi32, #tpu.memory_space<hbm>> -> memref<8x128xi32, #tpu.memory_space<hbm>>
          %dma_start3A_275 = arith.constant 0 : i32
          %dma_start3A_276 = tpu.memref_slice %arg5[%add3A, %dma_start3A_275] : memref<6400x128xi32, #tpu.memory_space<hbm>> -> memref<8x128xi32, #tpu.memory_space<hbm>>
          tpu.enqueue_dma source(%dma_start3A_276 : memref<8x128xi32, #tpu.memory_space<hbm>>) target(%arg10 : memref<8x128xi32, #tpu.memory_space<vmem>>) target_semaphore(%run_scoped3A : memref<!tpu.dma_semaphore, #tpu.memory_space<semaphore_mem>>)
          %dma_wait3A_277 = arith.constant 0 : i32
          %dma_wait3A_278 = tpu.memref_slice %arg5[%add3A, %dma_wait3A_277] : memref<6400x128xi32, #tpu.memory_space<hbm>> -> memref<8x128xi32, #tpu.memory_space<hbm>>
          %dma_wait3A_279 = arith.constant 0 : i32
          %dma_wait3A_280 = tpu.memref_slice %arg5[%add3A, %dma_wait3A_279] : memref<6400x128xi32, #tpu.memory_space<hbm>> -> memref<8x128xi32, #tpu.memory_space<hbm>>
          tpu.wait_dma2 semaphore(%run_scoped3A : memref<!tpu.dma_semaphore, #tpu.memory_space<semaphore_mem>>) src(%dma_wait3A_280 : memref<8x128xi32, #tpu.memory_space<hbm>>) dst(%arg10 : memref<8x128xi32, #tpu.memory_space<vmem>>)
          tpu.yield
        }) : () -> ()
        %dma_start3A = arith.constant 0 : i32
        %dma_start3A_19 = arith.constant 0 : i32
        %dma_start3A_20 = tpu.memref_slice %arg11[%dma_start3A_19] : memref<1024xf32, #tpu.memory_space<vmem>> -> memref<128xf32, #tpu.memory_space<vmem>>
        %dma_start3A_21 = arith.constant 0 : i32
        %dma_start3A_22 = tpu.memref_slice %arg9[%dma_start3A, %dma_start3A_21] : memref<8x128xi32, #tpu.memory_space<vmem>> -> memref<1x128xi32, #tpu.memory_space<vmem>>
        %dma_start3A_23 = tpu.memref_squeeze %dma_start3A_22 : memref<1x128xi32, #tpu.memory_space<vmem>> -> memref<128xi32, #tpu.memory_space<vmem>>
        %dma_start3A_24 = arith.constant 0 : i32
        %dma_start3A_25 = tpu.memref_slice %arg3[%dma_start3A_24] : memref<50048xf32, #tpu.memory_space<hbm>> -> memref<50048xf32, #tpu.memory_space<hbm>>
        tpu.enqueue_indirect_dma source(%dma_start3A_25 : memref<50048xf32, #tpu.memory_space<hbm>>) target(%dma_start3A_20 : memref<128xf32, #tpu.memory_space<vmem>>) offsets(%dma_start3A_23 : memref<128xi32, #tpu.memory_space<vmem>>) semaphore(%arg13 : memref<!tpu.dma_semaphore, #tpu.memory_space<semaphore_mem>>)
        %dma_start3A_26 = arith.constant 1 : i32
        %dma_start3A_27 = arith.constant 128 : i32
        %dma_start3A_28 = tpu.memref_slice %arg11[%dma_start3A_27] : memref<1024xf32, #tpu.memory_space<vmem>> -> memref<128xf32, #tpu.memory_space<vmem>>
        %dma_start3A_29 = arith.constant 0 : i32
        %dma_start3A_30 = tpu.memref_slice %arg9[%dma_start3A_26, %dma_start3A_29] : memref<8x128xi32, #tpu.memory_space<vmem>> -> memref<1x128xi32, #tpu.memory_space<vmem>>
        %dma_start3A_31 = tpu.memref_squeeze %dma_start3A_30 : memref<1x128xi32, #tpu.memory_space<vmem>> -> memref<128xi32, #tpu.memory_space<vmem>>
        %dma_start3A_32 = arith.constant 0 : i32
        %dma_start3A_33 = tpu.memref_slice %arg3[%dma_start3A_32] : memref<50048xf32, #tpu.memory_space<hbm>> -> memref<50048xf32, #tpu.memory_space<hbm>>
        tpu.enqueue_indirect_dma source(%dma_start3A_33 : memref<50048xf32, #tpu.memory_space<hbm>>) target(%dma_start3A_28 : memref<128xf32, #tpu.memory_space<vmem>>) offsets(%dma_start3A_31 : memref<128xi32, #tpu.memory_space<vmem>>) semaphore(%arg13 : memref<!tpu.dma_semaphore, #tpu.memory_space<semaphore_mem>>)
        %dma_start3A_34 = arith.constant 2 : i32
        %dma_start3A_35 = arith.constant 256 : i32
        %dma_start3A_36 = tpu.memref_slice %arg11[%dma_start3A_35] : memref<1024xf32, #tpu.memory_space<vmem>> -> memref<128xf32, #tpu.memory_space<vmem>>
        %dma_start3A_37 = arith.constant 0 : i32
        %dma_start3A_38 = tpu.memref_slice %arg9[%dma_start3A_34, %dma_start3A_37] : memref<8x128xi32, #tpu.memory_space<vmem>> -> memref<1x128xi32, #tpu.memory_space<vmem>>
        %dma_start3A_39 = tpu.memref_squeeze %dma_start3A_38 : memref<1x128xi32, #tpu.memory_space<vmem>> -> memref<128xi32, #tpu.memory_space<vmem>>
        %dma_start3A_40 = arith.constant 0 : i32
        %dma_start3A_41 = tpu.memref_slice %arg3[%dma_start3A_40] : memref<50048xf32, #tpu.memory_space<hbm>> -> memref<50048xf32, #tpu.memory_space<hbm>>
        tpu.enqueue_indirect_dma source(%dma_start3A_41 : memref<50048xf32, #tpu.memory_space<hbm>>) target(%dma_start3A_36 : memref<128xf32, #tpu.memory_space<vmem>>) offsets(%dma_start3A_39 : memref<128xi32, #tpu.memory_space<vmem>>) semaphore(%arg13 : memref<!tpu.dma_semaphore, #tpu.memory_space<semaphore_mem>>)
        %dma_start3A_42 = arith.constant 3 : i32
        %dma_start3A_43 = arith.constant 384 : i32
        %dma_start3A_44 = tpu.memref_slice %arg11[%dma_start3A_43] : memref<1024xf32, #tpu.memory_space<vmem>> -> memref<128xf32, #tpu.memory_space<vmem>>
        %dma_start3A_45 = arith.constant 0 : i32
        %dma_start3A_46 = tpu.memref_slice %arg9[%dma_start3A_42, %dma_start3A_45] : memref<8x128xi32, #tpu.memory_space<vmem>> -> memref<1x128xi32, #tpu.memory_space<vmem>>
        %dma_start3A_47 = tpu.memref_squeeze %dma_start3A_46 : memref<1x128xi32, #tpu.memory_space<vmem>> -> memref<128xi32, #tpu.memory_space<vmem>>
        %dma_start3A_48 = arith.constant 0 : i32
        %dma_start3A_49 = tpu.memref_slice %arg3[%dma_start3A_48] : memref<50048xf32, #tpu.memory_space<hbm>> -> memref<50048xf32, #tpu.memory_space<hbm>>
        tpu.enqueue_indirect_dma source(%dma_start3A_49 : memref<50048xf32, #tpu.memory_space<hbm>>) target(%dma_start3A_44 : memref<128xf32, #tpu.memory_space<vmem>>) offsets(%dma_start3A_47 : memref<128xi32, #tpu.memory_space<vmem>>) semaphore(%arg13 : memref<!tpu.dma_semaphore, #tpu.memory_space<semaphore_mem>>)
        %dma_start3A_50 = arith.constant 4 : i32
        %dma_start3A_51 = arith.constant 512 : i32
        %dma_start3A_52 = tpu.memref_slice %arg11[%dma_start3A_51] : memref<1024xf32, #tpu.memory_space<vmem>> -> memref<128xf32, #tpu.memory_space<vmem>>
        %dma_start3A_53 = arith.constant 0 : i32
        %dma_start3A_54 = tpu.memref_slice %arg9[%dma_start3A_50, %dma_start3A_53] : memref<8x128xi32, #tpu.memory_space<vmem>> -> memref<1x128xi32, #tpu.memory_space<vmem>>
        %dma_start3A_55 = tpu.memref_squeeze %dma_start3A_54 : memref<1x128xi32, #tpu.memory_space<vmem>> -> memref<128xi32, #tpu.memory_space<vmem>>
        %dma_start3A_56 = arith.constant 0 : i32
        %dma_start3A_57 = tpu.memref_slice %arg3[%dma_start3A_56] : memref<50048xf32, #tpu.memory_space<hbm>> -> memref<50048xf32, #tpu.memory_space<hbm>>
        tpu.enqueue_indirect_dma source(%dma_start3A_57 : memref<50048xf32, #tpu.memory_space<hbm>>) target(%dma_start3A_52 : memref<128xf32, #tpu.memory_space<vmem>>) offsets(%dma_start3A_55 : memref<128xi32, #tpu.memory_space<vmem>>) semaphore(%arg13 : memref<!tpu.dma_semaphore, #tpu.memory_space<semaphore_mem>>)
        %dma_start3A_58 = arith.constant 5 : i32
        %dma_start3A_59 = arith.constant 640 : i32
        %dma_start3A_60 = tpu.memref_slice %arg11[%dma_start3A_59] : memref<1024xf32, #tpu.memory_space<vmem>> -> memref<128xf32, #tpu.memory_space<vmem>>
        %dma_start3A_61 = arith.constant 0 : i32
        %dma_start3A_62 = tpu.memref_slice %arg9[%dma_start3A_58, %dma_start3A_61] : memref<8x128xi32, #tpu.memory_space<vmem>> -> memref<1x128xi32, #tpu.memory_space<vmem>>
        %dma_start3A_63 = tpu.memref_squeeze %dma_start3A_62 : memref<1x128xi32, #tpu.memory_space<vmem>> -> memref<128xi32, #tpu.memory_space<vmem>>
        %dma_start3A_64 = arith.constant 0 : i32
        %dma_start3A_65 = tpu.memref_slice %arg3[%dma_start3A_64] : memref<50048xf32, #tpu.memory_space<hbm>> -> memref<50048xf32, #tpu.memory_space<hbm>>
        tpu.enqueue_indirect_dma source(%dma_start3A_65 : memref<50048xf32, #tpu.memory_space<hbm>>) target(%dma_start3A_60 : memref<128xf32, #tpu.memory_space<vmem>>) offsets(%dma_start3A_63 : memref<128xi32, #tpu.memory_space<vmem>>) semaphore(%arg13 : memref<!tpu.dma_semaphore, #tpu.memory_space<semaphore_mem>>)
        %dma_start3A_66 = arith.constant 6 : i32
        %dma_start3A_67 = arith.constant 768 : i32
        %dma_start3A_68 = tpu.memref_slice %arg11[%dma_start3A_67] : memref<1024xf32, #tpu.memory_space<vmem>> -> memref<128xf32, #tpu.memory_space<vmem>>
        %dma_start3A_69 = arith.constant 0 : i32
        %dma_start3A_70 = tpu.memref_slice %arg9[%dma_start3A_66, %dma_start3A_69] : memref<8x128xi32, #tpu.memory_space<vmem>> -> memref<1x128xi32, #tpu.memory_space<vmem>>
        %dma_start3A_71 = tpu.memref_squeeze %dma_start3A_70 : memref<1x128xi32, #tpu.memory_space<vmem>> -> memref<128xi32, #tpu.memory_space<vmem>>
        %dma_start3A_72 = arith.constant 0 : i32
        %dma_start3A_73 = tpu.memref_slice %arg3[%dma_start3A_72] : memref<50048xf32, #tpu.memory_space<hbm>> -> memref<50048xf32, #tpu.memory_space<hbm>>
        tpu.enqueue_indirect_dma source(%dma_start3A_73 : memref<50048xf32, #tpu.memory_space<hbm>>) target(%dma_start3A_68 : memref<128xf32, #tpu.memory_space<vmem>>) offsets(%dma_start3A_71 : memref<128xi32, #tpu.memory_space<vmem>>) semaphore(%arg13 : memref<!tpu.dma_semaphore, #tpu.memory_space<semaphore_mem>>)
        %dma_start3A_74 = arith.constant 7 : i32
        %dma_start3A_75 = arith.constant 896 : i32
        %dma_start3A_76 = tpu.memref_slice %arg11[%dma_start3A_75] : memref<1024xf32, #tpu.memory_space<vmem>> -> memref<128xf32, #tpu.memory_space<vmem>>
        %dma_start3A_77 = arith.constant 0 : i32
        %dma_start3A_78 = tpu.memref_slice %arg9[%dma_start3A_74, %dma_start3A_77] : memref<8x128xi32, #tpu.memory_space<vmem>> -> memref<1x128xi32, #tpu.memory_space<vmem>>
        %dma_start3A_79 = tpu.memref_squeeze %dma_start3A_78 : memref<1x128xi32, #tpu.memory_space<vmem>> -> memref<128xi32, #tpu.memory_space<vmem>>
        %dma_start3A_80 = arith.constant 0 : i32
        %dma_start3A_81 = tpu.memref_slice %arg3[%dma_start3A_80] : memref<50048xf32, #tpu.memory_space<hbm>> -> memref<50048xf32, #tpu.memory_space<hbm>>
        tpu.enqueue_indirect_dma source(%dma_start3A_81 : memref<50048xf32, #tpu.memory_space<hbm>>) target(%dma_start3A_76 : memref<128xf32, #tpu.memory_space<vmem>>) offsets(%dma_start3A_79 : memref<128xi32, #tpu.memory_space<vmem>>) semaphore(%arg13 : memref<!tpu.dma_semaphore, #tpu.memory_space<semaphore_mem>>)
        %dma_wait3A = arith.constant 0 : i32
        %dma_wait3A_82 = arith.constant 0 : i32
        %dma_wait3A_83 = tpu.memref_slice %arg11[%dma_wait3A_82] : memref<1024xf32, #tpu.memory_space<vmem>> -> memref<128xf32, #tpu.memory_space<vmem>>
        %dma_wait3A_84 = arith.constant 0 : i32
        %dma_wait3A_85 = tpu.memref_slice %arg9[%dma_wait3A, %dma_wait3A_84] : memref<8x128xi32, #tpu.memory_space<vmem>> -> memref<1x128xi32, #tpu.memory_space<vmem>>
        %dma_wait3A_86 = tpu.memref_squeeze %dma_wait3A_85 : memref<1x128xi32, #tpu.memory_space<vmem>> -> memref<128xi32, #tpu.memory_space<vmem>>
        %dma_wait3A_87 = arith.constant 0 : i32
        %dma_wait3A_88 = tpu.memref_slice %arg3[%dma_wait3A_87] : memref<50048xf32, #tpu.memory_space<hbm>> -> memref<50048xf32, #tpu.memory_space<hbm>>
        tpu.wait_indirect_dma semaphore(%arg13 : memref<!tpu.dma_semaphore, #tpu.memory_space<semaphore_mem>>) src(%dma_wait3A_88 : memref<50048xf32, #tpu.memory_space<hbm>>) dst(%dma_wait3A_83 : memref<128xf32, #tpu.memory_space<vmem>>)
        %dma_wait3A_89 = arith.constant 1 : i32
        %dma_wait3A_90 = arith.constant 128 : i32
        %dma_wait3A_91 = tpu.memref_slice %arg11[%dma_wait3A_90] : memref<1024xf32, #tpu.memory_space<vmem>> -> memref<128xf32, #tpu.memory_space<vmem>>
        %dma_wait3A_92 = arith.constant 0 : i32
        %dma_wait3A_93 = tpu.memref_slice %arg9[%dma_wait3A_89, %dma_wait3A_92] : memref<8x128xi32, #tpu.memory_space<vmem>> -> memref<1x128xi32, #tpu.memory_space<vmem>>
        %dma_wait3A_94 = tpu.memref_squeeze %dma_wait3A_93 : memref<1x128xi32, #tpu.memory_space<vmem>> -> memref<128xi32, #tpu.memory_space<vmem>>
        %dma_wait3A_95 = arith.constant 0 : i32
        %dma_wait3A_96 = tpu.memref_slice %arg3[%dma_wait3A_95] : memref<50048xf32, #tpu.memory_space<hbm>> -> memref<50048xf32, #tpu.memory_space<hbm>>
        tpu.wait_indirect_dma semaphore(%arg13 : memref<!tpu.dma_semaphore, #tpu.memory_space<semaphore_mem>>) src(%dma_wait3A_96 : memref<50048xf32, #tpu.memory_space<hbm>>) dst(%dma_wait3A_91 : memref<128xf32, #tpu.memory_space<vmem>>)
        %dma_wait3A_97 = arith.constant 2 : i32
        %dma_wait3A_98 = arith.constant 256 : i32
        %dma_wait3A_99 = tpu.memref_slice %arg11[%dma_wait3A_98] : memref<1024xf32, #tpu.memory_space<vmem>> -> memref<128xf32, #tpu.memory_space<vmem>>
        %dma_wait3A_100 = arith.constant 0 : i32
        %dma_wait3A_101 = tpu.memref_slice %arg9[%dma_wait3A_97, %dma_wait3A_100] : memref<8x128xi32, #tpu.memory_space<vmem>> -> memref<1x128xi32, #tpu.memory_space<vmem>>
        %dma_wait3A_102 = tpu.memref_squeeze %dma_wait3A_101 : memref<1x128xi32, #tpu.memory_space<vmem>> -> memref<128xi32, #tpu.memory_space<vmem>>
        %dma_wait3A_103 = arith.constant 0 : i32
        %dma_wait3A_104 = tpu.memref_slice %arg3[%dma_wait3A_103] : memref<50048xf32, #tpu.memory_space<hbm>> -> memref<50048xf32, #tpu.memory_space<hbm>>
        tpu.wait_indirect_dma semaphore(%arg13 : memref<!tpu.dma_semaphore, #tpu.memory_space<semaphore_mem>>) src(%dma_wait3A_104 : memref<50048xf32, #tpu.memory_space<hbm>>) dst(%dma_wait3A_99 : memref<128xf32, #tpu.memory_space<vmem>>)
        %dma_wait3A_105 = arith.constant 3 : i32
        %dma_wait3A_106 = arith.constant 384 : i32
        %dma_wait3A_107 = tpu.memref_slice %arg11[%dma_wait3A_106] : memref<1024xf32, #tpu.memory_space<vmem>> -> memref<128xf32, #tpu.memory_space<vmem>>
        %dma_wait3A_108 = arith.constant 0 : i32
        %dma_wait3A_109 = tpu.memref_slice %arg9[%dma_wait3A_105, %dma_wait3A_108] : memref<8x128xi32, #tpu.memory_space<vmem>> -> memref<1x128xi32, #tpu.memory_space<vmem>>
        %dma_wait3A_110 = tpu.memref_squeeze %dma_wait3A_109 : memref<1x128xi32, #tpu.memory_space<vmem>> -> memref<128xi32, #tpu.memory_space<vmem>>
        %dma_wait3A_111 = arith.constant 0 : i32
        %dma_wait3A_112 = tpu.memref_slice %arg3[%dma_wait3A_111] : memref<50048xf32, #tpu.memory_space<hbm>> -> memref<50048xf32, #tpu.memory_space<hbm>>
        tpu.wait_indirect_dma semaphore(%arg13 : memref<!tpu.dma_semaphore, #tpu.memory_space<semaphore_mem>>) src(%dma_wait3A_112 : memref<50048xf32, #tpu.memory_space<hbm>>) dst(%dma_wait3A_107 : memref<128xf32, #tpu.memory_space<vmem>>)
        %dma_wait3A_113 = arith.constant 4 : i32
        %dma_wait3A_114 = arith.constant 512 : i32
        %dma_wait3A_115 = tpu.memref_slice %arg11[%dma_wait3A_114] : memref<1024xf32, #tpu.memory_space<vmem>> -> memref<128xf32, #tpu.memory_space<vmem>>
        %dma_wait3A_116 = arith.constant 0 : i32
        %dma_wait3A_117 = tpu.memref_slice %arg9[%dma_wait3A_113, %dma_wait3A_116] : memref<8x128xi32, #tpu.memory_space<vmem>> -> memref<1x128xi32, #tpu.memory_space<vmem>>
        %dma_wait3A_118 = tpu.memref_squeeze %dma_wait3A_117 : memref<1x128xi32, #tpu.memory_space<vmem>> -> memref<128xi32, #tpu.memory_space<vmem>>
        %dma_wait3A_119 = arith.constant 0 : i32
        %dma_wait3A_120 = tpu.memref_slice %arg3[%dma_wait3A_119] : memref<50048xf32, #tpu.memory_space<hbm>> -> memref<50048xf32, #tpu.memory_space<hbm>>
        tpu.wait_indirect_dma semaphore(%arg13 : memref<!tpu.dma_semaphore, #tpu.memory_space<semaphore_mem>>) src(%dma_wait3A_120 : memref<50048xf32, #tpu.memory_space<hbm>>) dst(%dma_wait3A_115 : memref<128xf32, #tpu.memory_space<vmem>>)
        %dma_wait3A_121 = arith.constant 5 : i32
        %dma_wait3A_122 = arith.constant 640 : i32
        %dma_wait3A_123 = tpu.memref_slice %arg11[%dma_wait3A_122] : memref<1024xf32, #tpu.memory_space<vmem>> -> memref<128xf32, #tpu.memory_space<vmem>>
        %dma_wait3A_124 = arith.constant 0 : i32
        %dma_wait3A_125 = tpu.memref_slice %arg9[%dma_wait3A_121, %dma_wait3A_124] : memref<8x128xi32, #tpu.memory_space<vmem>> -> memref<1x128xi32, #tpu.memory_space<vmem>>
        %dma_wait3A_126 = tpu.memref_squeeze %dma_wait3A_125 : memref<1x128xi32, #tpu.memory_space<vmem>> -> memref<128xi32, #tpu.memory_space<vmem>>
        %dma_wait3A_127 = arith.constant 0 : i32
        %dma_wait3A_128 = tpu.memref_slice %arg3[%dma_wait3A_127] : memref<50048xf32, #tpu.memory_space<hbm>> -> memref<50048xf32, #tpu.memory_space<hbm>>
        tpu.wait_indirect_dma semaphore(%arg13 : memref<!tpu.dma_semaphore, #tpu.memory_space<semaphore_mem>>) src(%dma_wait3A_128 : memref<50048xf32, #tpu.memory_space<hbm>>) dst(%dma_wait3A_123 : memref<128xf32, #tpu.memory_space<vmem>>)
        %dma_wait3A_129 = arith.constant 6 : i32
        %dma_wait3A_130 = arith.constant 768 : i32
        %dma_wait3A_131 = tpu.memref_slice %arg11[%dma_wait3A_130] : memref<1024xf32, #tpu.memory_space<vmem>> -> memref<128xf32, #tpu.memory_space<vmem>>
        %dma_wait3A_132 = arith.constant 0 : i32
        %dma_wait3A_133 = tpu.memref_slice %arg9[%dma_wait3A_129, %dma_wait3A_132] : memref<8x128xi32, #tpu.memory_space<vmem>> -> memref<1x128xi32, #tpu.memory_space<vmem>>
        %dma_wait3A_134 = tpu.memref_squeeze %dma_wait3A_133 : memref<1x128xi32, #tpu.memory_space<vmem>> -> memref<128xi32, #tpu.memory_space<vmem>>
        %dma_wait3A_135 = arith.constant 0 : i32
        %dma_wait3A_136 = tpu.memref_slice %arg3[%dma_wait3A_135] : memref<50048xf32, #tpu.memory_space<hbm>> -> memref<50048xf32, #tpu.memory_space<hbm>>
        tpu.wait_indirect_dma semaphore(%arg13 : memref<!tpu.dma_semaphore, #tpu.memory_space<semaphore_mem>>) src(%dma_wait3A_136 : memref<50048xf32, #tpu.memory_space<hbm>>) dst(%dma_wait3A_131 : memref<128xf32, #tpu.memory_space<vmem>>)
        %dma_wait3A_137 = arith.constant 7 : i32
        %dma_wait3A_138 = arith.constant 896 : i32
        %dma_wait3A_139 = tpu.memref_slice %arg11[%dma_wait3A_138] : memref<1024xf32, #tpu.memory_space<vmem>> -> memref<128xf32, #tpu.memory_space<vmem>>
        %dma_wait3A_140 = arith.constant 0 : i32
        %dma_wait3A_141 = tpu.memref_slice %arg9[%dma_wait3A_137, %dma_wait3A_140] : memref<8x128xi32, #tpu.memory_space<vmem>> -> memref<1x128xi32, #tpu.memory_space<vmem>>
        %dma_wait3A_142 = tpu.memref_squeeze %dma_wait3A_141 : memref<1x128xi32, #tpu.memory_space<vmem>> -> memref<128xi32, #tpu.memory_space<vmem>>
        %dma_wait3A_143 = arith.constant 0 : i32
        %dma_wait3A_144 = tpu.memref_slice %arg3[%dma_wait3A_143] : memref<50048xf32, #tpu.memory_space<hbm>> -> memref<50048xf32, #tpu.memory_space<hbm>>
        tpu.wait_indirect_dma semaphore(%arg13 : memref<!tpu.dma_semaphore, #tpu.memory_space<semaphore_mem>>) src(%dma_wait3A_144 : memref<50048xf32, #tpu.memory_space<hbm>>) dst(%dma_wait3A_139 : memref<128xf32, #tpu.memory_space<vmem>>)
        %dma_start3A_145 = arith.constant 0 : i32
        %dma_start3A_146 = arith.constant 0 : i32
        %dma_start3A_147 = tpu.memref_slice %arg11[%dma_start3A_146] : memref<1024xf32, #tpu.memory_space<vmem>> -> memref<128xf32, #tpu.memory_space<vmem>>
        %dma_start3A_148 = arith.constant 0 : i32
        %dma_start3A_149 = tpu.memref_slice %arg10[%dma_start3A_145, %dma_start3A_148] : memref<8x128xi32, #tpu.memory_space<vmem>> -> memref<1x128xi32, #tpu.memory_space<vmem>>
        %dma_start3A_150 = tpu.memref_squeeze %dma_start3A_149 : memref<1x128xi32, #tpu.memory_space<vmem>> -> memref<128xi32, #tpu.memory_space<vmem>>
        %dma_start3A_151 = arith.constant 0 : i32
        %dma_start3A_152 = tpu.memref_slice %arg12[%dma_start3A_151] : memref<50048xf32, #tpu.memory_space<vmem_shared>> -> memref<50048xf32, #tpu.memory_space<vmem_shared>>
        tpu.enqueue_indirect_dma source(%dma_start3A_147 : memref<128xf32, #tpu.memory_space<vmem>>) target(%dma_start3A_152 : memref<50048xf32, #tpu.memory_space<vmem_shared>>) offsets(%dma_start3A_150 : memref<128xi32, #tpu.memory_space<vmem>>) semaphore(%arg14 : memref<!tpu.dma_semaphore, #tpu.memory_space<semaphore_mem>>) {add = true}
        %dma_start3A_153 = arith.constant 1 : i32
        %dma_start3A_154 = arith.constant 128 : i32
        %dma_start3A_155 = tpu.memref_slice %arg11[%dma_start3A_154] : memref<1024xf32, #tpu.memory_space<vmem>> -> memref<128xf32, #tpu.memory_space<vmem>>
        %dma_start3A_156 = arith.constant 0 : i32
        %dma_start3A_157 = tpu.memref_slice %arg10[%dma_start3A_153, %dma_start3A_156] : memref<8x128xi32, #tpu.memory_space<vmem>> -> memref<1x128xi32, #tpu.memory_space<vmem>>
        %dma_start3A_158 = tpu.memref_squeeze %dma_start3A_157 : memref<1x128xi32, #tpu.memory_space<vmem>> -> memref<128xi32, #tpu.memory_space<vmem>>
        %dma_start3A_159 = arith.constant 0 : i32
        %dma_start3A_160 = tpu.memref_slice %arg12[%dma_start3A_159] : memref<50048xf32, #tpu.memory_space<vmem_shared>> -> memref<50048xf32, #tpu.memory_space<vmem_shared>>
        tpu.enqueue_indirect_dma source(%dma_start3A_155 : memref<128xf32, #tpu.memory_space<vmem>>) target(%dma_start3A_160 : memref<50048xf32, #tpu.memory_space<vmem_shared>>) offsets(%dma_start3A_158 : memref<128xi32, #tpu.memory_space<vmem>>) semaphore(%arg14 : memref<!tpu.dma_semaphore, #tpu.memory_space<semaphore_mem>>) {add = true}
        %dma_start3A_161 = arith.constant 2 : i32
        %dma_start3A_162 = arith.constant 256 : i32
        %dma_start3A_163 = tpu.memref_slice %arg11[%dma_start3A_162] : memref<1024xf32, #tpu.memory_space<vmem>> -> memref<128xf32, #tpu.memory_space<vmem>>
        %dma_start3A_164 = arith.constant 0 : i32
        %dma_start3A_165 = tpu.memref_slice %arg10[%dma_start3A_161, %dma_start3A_164] : memref<8x128xi32, #tpu.memory_space<vmem>> -> memref<1x128xi32, #tpu.memory_space<vmem>>
        %dma_start3A_166 = tpu.memref_squeeze %dma_start3A_165 : memref<1x128xi32, #tpu.memory_space<vmem>> -> memref<128xi32, #tpu.memory_space<vmem>>
        %dma_start3A_167 = arith.constant 0 : i32
        %dma_start3A_168 = tpu.memref_slice %arg12[%dma_start3A_167] : memref<50048xf32, #tpu.memory_space<vmem_shared>> -> memref<50048xf32, #tpu.memory_space<vmem_shared>>
        tpu.enqueue_indirect_dma source(%dma_start3A_163 : memref<128xf32, #tpu.memory_space<vmem>>) target(%dma_start3A_168 : memref<50048xf32, #tpu.memory_space<vmem_shared>>) offsets(%dma_start3A_166 : memref<128xi32, #tpu.memory_space<vmem>>) semaphore(%arg14 : memref<!tpu.dma_semaphore, #tpu.memory_space<semaphore_mem>>) {add = true}
        %dma_start3A_169 = arith.constant 3 : i32
        %dma_start3A_170 = arith.constant 384 : i32
        %dma_start3A_171 = tpu.memref_slice %arg11[%dma_start3A_170] : memref<1024xf32, #tpu.memory_space<vmem>> -> memref<128xf32, #tpu.memory_space<vmem>>
        %dma_start3A_172 = arith.constant 0 : i32
        %dma_start3A_173 = tpu.memref_slice %arg10[%dma_start3A_169, %dma_start3A_172] : memref<8x128xi32, #tpu.memory_space<vmem>> -> memref<1x128xi32, #tpu.memory_space<vmem>>
        %dma_start3A_174 = tpu.memref_squeeze %dma_start3A_173 : memref<1x128xi32, #tpu.memory_space<vmem>> -> memref<128xi32, #tpu.memory_space<vmem>>
        %dma_start3A_175 = arith.constant 0 : i32
        %dma_start3A_176 = tpu.memref_slice %arg12[%dma_start3A_175] : memref<50048xf32, #tpu.memory_space<vmem_shared>> -> memref<50048xf32, #tpu.memory_space<vmem_shared>>
        tpu.enqueue_indirect_dma source(%dma_start3A_171 : memref<128xf32, #tpu.memory_space<vmem>>) target(%dma_start3A_176 : memref<50048xf32, #tpu.memory_space<vmem_shared>>) offsets(%dma_start3A_174 : memref<128xi32, #tpu.memory_space<vmem>>) semaphore(%arg14 : memref<!tpu.dma_semaphore, #tpu.memory_space<semaphore_mem>>) {add = true}
        %dma_start3A_177 = arith.constant 4 : i32
        %dma_start3A_178 = arith.constant 512 : i32
        %dma_start3A_179 = tpu.memref_slice %arg11[%dma_start3A_178] : memref<1024xf32, #tpu.memory_space<vmem>> -> memref<128xf32, #tpu.memory_space<vmem>>
        %dma_start3A_180 = arith.constant 0 : i32
        %dma_start3A_181 = tpu.memref_slice %arg10[%dma_start3A_177, %dma_start3A_180] : memref<8x128xi32, #tpu.memory_space<vmem>> -> memref<1x128xi32, #tpu.memory_space<vmem>>
        %dma_start3A_182 = tpu.memref_squeeze %dma_start3A_181 : memref<1x128xi32, #tpu.memory_space<vmem>> -> memref<128xi32, #tpu.memory_space<vmem>>
        %dma_start3A_183 = arith.constant 0 : i32
        %dma_start3A_184 = tpu.memref_slice %arg12[%dma_start3A_183] : memref<50048xf32, #tpu.memory_space<vmem_shared>> -> memref<50048xf32, #tpu.memory_space<vmem_shared>>
        tpu.enqueue_indirect_dma source(%dma_start3A_179 : memref<128xf32, #tpu.memory_space<vmem>>) target(%dma_start3A_184 : memref<50048xf32, #tpu.memory_space<vmem_shared>>) offsets(%dma_start3A_182 : memref<128xi32, #tpu.memory_space<vmem>>) semaphore(%arg14 : memref<!tpu.dma_semaphore, #tpu.memory_space<semaphore_mem>>) {add = true}
        %dma_start3A_185 = arith.constant 5 : i32
        %dma_start3A_186 = arith.constant 640 : i32
        %dma_start3A_187 = tpu.memref_slice %arg11[%dma_start3A_186] : memref<1024xf32, #tpu.memory_space<vmem>> -> memref<128xf32, #tpu.memory_space<vmem>>
        %dma_start3A_188 = arith.constant 0 : i32
        %dma_start3A_189 = tpu.memref_slice %arg10[%dma_start3A_185, %dma_start3A_188] : memref<8x128xi32, #tpu.memory_space<vmem>> -> memref<1x128xi32, #tpu.memory_space<vmem>>
        %dma_start3A_190 = tpu.memref_squeeze %dma_start3A_189 : memref<1x128xi32, #tpu.memory_space<vmem>> -> memref<128xi32, #tpu.memory_space<vmem>>
        %dma_start3A_191 = arith.constant 0 : i32
        %dma_start3A_192 = tpu.memref_slice %arg12[%dma_start3A_191] : memref<50048xf32, #tpu.memory_space<vmem_shared>> -> memref<50048xf32, #tpu.memory_space<vmem_shared>>
        tpu.enqueue_indirect_dma source(%dma_start3A_187 : memref<128xf32, #tpu.memory_space<vmem>>) target(%dma_start3A_192 : memref<50048xf32, #tpu.memory_space<vmem_shared>>) offsets(%dma_start3A_190 : memref<128xi32, #tpu.memory_space<vmem>>) semaphore(%arg14 : memref<!tpu.dma_semaphore, #tpu.memory_space<semaphore_mem>>) {add = true}
        %dma_start3A_193 = arith.constant 6 : i32
        %dma_start3A_194 = arith.constant 768 : i32
        %dma_start3A_195 = tpu.memref_slice %arg11[%dma_start3A_194] : memref<1024xf32, #tpu.memory_space<vmem>> -> memref<128xf32, #tpu.memory_space<vmem>>
        %dma_start3A_196 = arith.constant 0 : i32
        %dma_start3A_197 = tpu.memref_slice %arg10[%dma_start3A_193, %dma_start3A_196] : memref<8x128xi32, #tpu.memory_space<vmem>> -> memref<1x128xi32, #tpu.memory_space<vmem>>
        %dma_start3A_198 = tpu.memref_squeeze %dma_start3A_197 : memref<1x128xi32, #tpu.memory_space<vmem>> -> memref<128xi32, #tpu.memory_space<vmem>>
        %dma_start3A_199 = arith.constant 0 : i32
        %dma_start3A_200 = tpu.memref_slice %arg12[%dma_start3A_199] : memref<50048xf32, #tpu.memory_space<vmem_shared>> -> memref<50048xf32, #tpu.memory_space<vmem_shared>>
        tpu.enqueue_indirect_dma source(%dma_start3A_195 : memref<128xf32, #tpu.memory_space<vmem>>) target(%dma_start3A_200 : memref<50048xf32, #tpu.memory_space<vmem_shared>>) offsets(%dma_start3A_198 : memref<128xi32, #tpu.memory_space<vmem>>) semaphore(%arg14 : memref<!tpu.dma_semaphore, #tpu.memory_space<semaphore_mem>>) {add = true}
        %dma_start3A_201 = arith.constant 7 : i32
        %dma_start3A_202 = arith.constant 896 : i32
        %dma_start3A_203 = tpu.memref_slice %arg11[%dma_start3A_202] : memref<1024xf32, #tpu.memory_space<vmem>> -> memref<128xf32, #tpu.memory_space<vmem>>
        %dma_start3A_204 = arith.constant 0 : i32
        %dma_start3A_205 = tpu.memref_slice %arg10[%dma_start3A_201, %dma_start3A_204] : memref<8x128xi32, #tpu.memory_space<vmem>> -> memref<1x128xi32, #tpu.memory_space<vmem>>
        %dma_start3A_206 = tpu.memref_squeeze %dma_start3A_205 : memref<1x128xi32, #tpu.memory_space<vmem>> -> memref<128xi32, #tpu.memory_space<vmem>>
        %dma_start3A_207 = arith.constant 0 : i32
        %dma_start3A_208 = tpu.memref_slice %arg12[%dma_start3A_207] : memref<50048xf32, #tpu.memory_space<vmem_shared>> -> memref<50048xf32, #tpu.memory_space<vmem_shared>>
        tpu.enqueue_indirect_dma source(%dma_start3A_203 : memref<128xf32, #tpu.memory_space<vmem>>) target(%dma_start3A_208 : memref<50048xf32, #tpu.memory_space<vmem_shared>>) offsets(%dma_start3A_206 : memref<128xi32, #tpu.memory_space<vmem>>) semaphore(%arg14 : memref<!tpu.dma_semaphore, #tpu.memory_space<semaphore_mem>>) {add = true}
        %dma_wait3A_209 = arith.constant 0 : i32
        %dma_wait3A_210 = arith.constant 0 : i32
        %dma_wait3A_211 = tpu.memref_slice %arg11[%dma_wait3A_210] : memref<1024xf32, #tpu.memory_space<vmem>> -> memref<128xf32, #tpu.memory_space<vmem>>
        %dma_wait3A_212 = arith.constant 0 : i32
        %dma_wait3A_213 = tpu.memref_slice %arg10[%dma_wait3A_209, %dma_wait3A_212] : memref<8x128xi32, #tpu.memory_space<vmem>> -> memref<1x128xi32, #tpu.memory_space<vmem>>
        %dma_wait3A_214 = tpu.memref_squeeze %dma_wait3A_213 : memref<1x128xi32, #tpu.memory_space<vmem>> -> memref<128xi32, #tpu.memory_space<vmem>>
        %dma_wait3A_215 = arith.constant 0 : i32
        %dma_wait3A_216 = tpu.memref_slice %arg12[%dma_wait3A_215] : memref<50048xf32, #tpu.memory_space<vmem_shared>> -> memref<50048xf32, #tpu.memory_space<vmem_shared>>
        tpu.wait_indirect_dma semaphore(%arg14 : memref<!tpu.dma_semaphore, #tpu.memory_space<semaphore_mem>>) src(%dma_wait3A_211 : memref<128xf32, #tpu.memory_space<vmem>>) dst(%dma_wait3A_216 : memref<50048xf32, #tpu.memory_space<vmem_shared>>)
        %dma_wait3A_217 = arith.constant 1 : i32
        %dma_wait3A_218 = arith.constant 128 : i32
        %dma_wait3A_219 = tpu.memref_slice %arg11[%dma_wait3A_218] : memref<1024xf32, #tpu.memory_space<vmem>> -> memref<128xf32, #tpu.memory_space<vmem>>
        %dma_wait3A_220 = arith.constant 0 : i32
        %dma_wait3A_221 = tpu.memref_slice %arg10[%dma_wait3A_217, %dma_wait3A_220] : memref<8x128xi32, #tpu.memory_space<vmem>> -> memref<1x128xi32, #tpu.memory_space<vmem>>
        %dma_wait3A_222 = tpu.memref_squeeze %dma_wait3A_221 : memref<1x128xi32, #tpu.memory_space<vmem>> -> memref<128xi32, #tpu.memory_space<vmem>>
        %dma_wait3A_223 = arith.constant 0 : i32
        %dma_wait3A_224 = tpu.memref_slice %arg12[%dma_wait3A_223] : memref<50048xf32, #tpu.memory_space<vmem_shared>> -> memref<50048xf32, #tpu.memory_space<vmem_shared>>
        tpu.wait_indirect_dma semaphore(%arg14 : memref<!tpu.dma_semaphore, #tpu.memory_space<semaphore_mem>>) src(%dma_wait3A_219 : memref<128xf32, #tpu.memory_space<vmem>>) dst(%dma_wait3A_224 : memref<50048xf32, #tpu.memory_space<vmem_shared>>)
        %dma_wait3A_225 = arith.constant 2 : i32
        %dma_wait3A_226 = arith.constant 256 : i32
        %dma_wait3A_227 = tpu.memref_slice %arg11[%dma_wait3A_226] : memref<1024xf32, #tpu.memory_space<vmem>> -> memref<128xf32, #tpu.memory_space<vmem>>
        %dma_wait3A_228 = arith.constant 0 : i32
        %dma_wait3A_229 = tpu.memref_slice %arg10[%dma_wait3A_225, %dma_wait3A_228] : memref<8x128xi32, #tpu.memory_space<vmem>> -> memref<1x128xi32, #tpu.memory_space<vmem>>
        %dma_wait3A_230 = tpu.memref_squeeze %dma_wait3A_229 : memref<1x128xi32, #tpu.memory_space<vmem>> -> memref<128xi32, #tpu.memory_space<vmem>>
        %dma_wait3A_231 = arith.constant 0 : i32
        %dma_wait3A_232 = tpu.memref_slice %arg12[%dma_wait3A_231] : memref<50048xf32, #tpu.memory_space<vmem_shared>> -> memref<50048xf32, #tpu.memory_space<vmem_shared>>
        tpu.wait_indirect_dma semaphore(%arg14 : memref<!tpu.dma_semaphore, #tpu.memory_space<semaphore_mem>>) src(%dma_wait3A_227 : memref<128xf32, #tpu.memory_space<vmem>>) dst(%dma_wait3A_232 : memref<50048xf32, #tpu.memory_space<vmem_shared>>)
        %dma_wait3A_233 = arith.constant 3 : i32
        %dma_wait3A_234 = arith.constant 384 : i32
        %dma_wait3A_235 = tpu.memref_slice %arg11[%dma_wait3A_234] : memref<1024xf32, #tpu.memory_space<vmem>> -> memref<128xf32, #tpu.memory_space<vmem>>
        %dma_wait3A_236 = arith.constant 0 : i32
        %dma_wait3A_237 = tpu.memref_slice %arg10[%dma_wait3A_233, %dma_wait3A_236] : memref<8x128xi32, #tpu.memory_space<vmem>> -> memref<1x128xi32, #tpu.memory_space<vmem>>
        %dma_wait3A_238 = tpu.memref_squeeze %dma_wait3A_237 : memref<1x128xi32, #tpu.memory_space<vmem>> -> memref<128xi32, #tpu.memory_space<vmem>>
        %dma_wait3A_239 = arith.constant 0 : i32
        %dma_wait3A_240 = tpu.memref_slice %arg12[%dma_wait3A_239] : memref<50048xf32, #tpu.memory_space<vmem_shared>> -> memref<50048xf32, #tpu.memory_space<vmem_shared>>
        tpu.wait_indirect_dma semaphore(%arg14 : memref<!tpu.dma_semaphore, #tpu.memory_space<semaphore_mem>>) src(%dma_wait3A_235 : memref<128xf32, #tpu.memory_space<vmem>>) dst(%dma_wait3A_240 : memref<50048xf32, #tpu.memory_space<vmem_shared>>)
        %dma_wait3A_241 = arith.constant 4 : i32
        %dma_wait3A_242 = arith.constant 512 : i32
        %dma_wait3A_243 = tpu.memref_slice %arg11[%dma_wait3A_242] : memref<1024xf32, #tpu.memory_space<vmem>> -> memref<128xf32, #tpu.memory_space<vmem>>
        %dma_wait3A_244 = arith.constant 0 : i32
        %dma_wait3A_245 = tpu.memref_slice %arg10[%dma_wait3A_241, %dma_wait3A_244] : memref<8x128xi32, #tpu.memory_space<vmem>> -> memref<1x128xi32, #tpu.memory_space<vmem>>
        %dma_wait3A_246 = tpu.memref_squeeze %dma_wait3A_245 : memref<1x128xi32, #tpu.memory_space<vmem>> -> memref<128xi32, #tpu.memory_space<vmem>>
        %dma_wait3A_247 = arith.constant 0 : i32
        %dma_wait3A_248 = tpu.memref_slice %arg12[%dma_wait3A_247] : memref<50048xf32, #tpu.memory_space<vmem_shared>> -> memref<50048xf32, #tpu.memory_space<vmem_shared>>
        tpu.wait_indirect_dma semaphore(%arg14 : memref<!tpu.dma_semaphore, #tpu.memory_space<semaphore_mem>>) src(%dma_wait3A_243 : memref<128xf32, #tpu.memory_space<vmem>>) dst(%dma_wait3A_248 : memref<50048xf32, #tpu.memory_space<vmem_shared>>)
        %dma_wait3A_249 = arith.constant 5 : i32
        %dma_wait3A_250 = arith.constant 640 : i32
        %dma_wait3A_251 = tpu.memref_slice %arg11[%dma_wait3A_250] : memref<1024xf32, #tpu.memory_space<vmem>> -> memref<128xf32, #tpu.memory_space<vmem>>
        %dma_wait3A_252 = arith.constant 0 : i32
        %dma_wait3A_253 = tpu.memref_slice %arg10[%dma_wait3A_249, %dma_wait3A_252] : memref<8x128xi32, #tpu.memory_space<vmem>> -> memref<1x128xi32, #tpu.memory_space<vmem>>
        %dma_wait3A_254 = tpu.memref_squeeze %dma_wait3A_253 : memref<1x128xi32, #tpu.memory_space<vmem>> -> memref<128xi32, #tpu.memory_space<vmem>>
        %dma_wait3A_255 = arith.constant 0 : i32
        %dma_wait3A_256 = tpu.memref_slice %arg12[%dma_wait3A_255] : memref<50048xf32, #tpu.memory_space<vmem_shared>> -> memref<50048xf32, #tpu.memory_space<vmem_shared>>
        tpu.wait_indirect_dma semaphore(%arg14 : memref<!tpu.dma_semaphore, #tpu.memory_space<semaphore_mem>>) src(%dma_wait3A_251 : memref<128xf32, #tpu.memory_space<vmem>>) dst(%dma_wait3A_256 : memref<50048xf32, #tpu.memory_space<vmem_shared>>)
        %dma_wait3A_257 = arith.constant 6 : i32
        %dma_wait3A_258 = arith.constant 768 : i32
        %dma_wait3A_259 = tpu.memref_slice %arg11[%dma_wait3A_258] : memref<1024xf32, #tpu.memory_space<vmem>> -> memref<128xf32, #tpu.memory_space<vmem>>
        %dma_wait3A_260 = arith.constant 0 : i32
        %dma_wait3A_261 = tpu.memref_slice %arg10[%dma_wait3A_257, %dma_wait3A_260] : memref<8x128xi32, #tpu.memory_space<vmem>> -> memref<1x128xi32, #tpu.memory_space<vmem>>
        %dma_wait3A_262 = tpu.memref_squeeze %dma_wait3A_261 : memref<1x128xi32, #tpu.memory_space<vmem>> -> memref<128xi32, #tpu.memory_space<vmem>>
        %dma_wait3A_263 = arith.constant 0 : i32
        %dma_wait3A_264 = tpu.memref_slice %arg12[%dma_wait3A_263] : memref<50048xf32, #tpu.memory_space<vmem_shared>> -> memref<50048xf32, #tpu.memory_space<vmem_shared>>
        tpu.wait_indirect_dma semaphore(%arg14 : memref<!tpu.dma_semaphore, #tpu.memory_space<semaphore_mem>>) src(%dma_wait3A_259 : memref<128xf32, #tpu.memory_space<vmem>>) dst(%dma_wait3A_264 : memref<50048xf32, #tpu.memory_space<vmem_shared>>)
        %dma_wait3A_265 = arith.constant 7 : i32
        %dma_wait3A_266 = arith.constant 896 : i32
        %dma_wait3A_267 = tpu.memref_slice %arg11[%dma_wait3A_266] : memref<1024xf32, #tpu.memory_space<vmem>> -> memref<128xf32, #tpu.memory_space<vmem>>
        %dma_wait3A_268 = arith.constant 0 : i32
        %dma_wait3A_269 = tpu.memref_slice %arg10[%dma_wait3A_265, %dma_wait3A_268] : memref<8x128xi32, #tpu.memory_space<vmem>> -> memref<1x128xi32, #tpu.memory_space<vmem>>
        %dma_wait3A_270 = tpu.memref_squeeze %dma_wait3A_269 : memref<1x128xi32, #tpu.memory_space<vmem>> -> memref<128xi32, #tpu.memory_space<vmem>>
        %dma_wait3A_271 = arith.constant 0 : i32
        %dma_wait3A_272 = tpu.memref_slice %arg12[%dma_wait3A_271] : memref<50048xf32, #tpu.memory_space<vmem_shared>> -> memref<50048xf32, #tpu.memory_space<vmem_shared>>
        tpu.wait_indirect_dma semaphore(%arg14 : memref<!tpu.dma_semaphore, #tpu.memory_space<semaphore_mem>>) src(%dma_wait3A_267 : memref<128xf32, #tpu.memory_space<vmem>>) dst(%dma_wait3A_272 : memref<50048xf32, #tpu.memory_space<vmem_shared>>)
      }
      %scan3A_12 = arith.constant 50 : i32
      %barrier3A_13 = arith.constant 0 : index
      tpu.barrier barrier_id(%barrier3A_13)
      "tpu.region"() ({
        %run_scoped3A = tpu.sem_alloc : memref<!tpu.dma_semaphore, #tpu.memory_space<semaphore_mem>>
        %dma_start3A = tpu.memref_slice %arg8[%mul3A_0] : memref<50048xf32, #tpu.memory_space<hbm>> -> memref<3128xf32, #tpu.memory_space<hbm>>
        %dma_start3A_14 = tpu.memref_slice %arg12[%mul3A_0] : memref<50048xf32, #tpu.memory_space<vmem_shared>> -> memref<3128xf32, #tpu.memory_space<vmem_shared>>
        tpu.enqueue_dma source(%dma_start3A_14 : memref<3128xf32, #tpu.memory_space<vmem_shared>>) target(%dma_start3A : memref<3128xf32, #tpu.memory_space<hbm>>) target_semaphore(%run_scoped3A : memref<!tpu.dma_semaphore, #tpu.memory_space<semaphore_mem>>)
        %dma_wait3A = tpu.memref_slice %arg8[%mul3A_0] : memref<50048xf32, #tpu.memory_space<hbm>> -> memref<3128xf32, #tpu.memory_space<hbm>>
        %dma_wait3A_15 = tpu.memref_slice %arg12[%mul3A_0] : memref<50048xf32, #tpu.memory_space<vmem_shared>> -> memref<3128xf32, #tpu.memory_space<vmem_shared>>
        tpu.wait_dma2 semaphore(%run_scoped3A : memref<!tpu.dma_semaphore, #tpu.memory_space<semaphore_mem>>) src(%dma_wait3A_15 : memref<3128xf32, #tpu.memory_space<vmem_shared>>) dst(%dma_wait3A : memref<3128xf32, #tpu.memory_space<hbm>>)
        tpu.yield
      }) : () -> ()
    } else {
    }
    return
  }
}

</mosaic_0001>

<sc_bundles>
// kernel: _sc_seg2.3.cloned.1.call-start
scs
__scs_entry_jumppad:
0x0: {  	(pc) =	sbr.rel $0x88, $3  }
0x1: {  	(tag) =	ssettag $0x0;
	lr =	simm.s32 $0x1  }
0x2: {  	[smem:$0x3F9C] =	sst lr;
	_ =	strace $0xD0000000  }
0x3: {  	_ = 	snop  }
0x4: {  	_ = 	snop  }
0x5: {  	_ = 	snop  }
0x6: {  	_ = 	snop  }
0x7: {  	_ = 	snop  }
__scs_overlays_trampoline_lowered:
0x8: {  	[smem:$0x3FAB] =	sst s0  }
0x9: {  	[smem:$0x3FAC] =	sst s1  }
0xa: {  	[smem:$0x3FAD] =	sst s2  }
0xb: {  	[smem:$0x3FAE] =	sst s3  }
0xc: {  	[smem:$0x3FAF] =	sst s4  }
0xd: {  	[smem:$0x3FB0] =	sst s5  }
0xe: {  	[smem:$0x3FB1] =	sst s6  }
0xf: {  	[smem:$0x3FB2] =	sst s7  }
0x10: {  	[smem:$0x3FB3] =	sst s8  }
0x11: {  	[smem:$0x3FB4] =	sst s9;
	s0 =	simm.s32 @!p0 $0x0  }
0x12: {  	s1 =	sld [smem:$0x3F9A];
	s0 =	simm.s32 @p0 $0x1  }
0x13: {  	[smem:$0x3FB5] =	sst s0;
	s0 =	simm.s32 @!p1 $0x0  }
0x14: {  	s2 =	sld [smem:$0x3F99];
	s0 =	simm.s32 @p1 $0x1  }
0x15: {  	[smem:$0x3FB6] =	sst s0;
	s0 =	simm.s32 @!p2 $0x0  }
0x16: {  	s3 =	sld [smem:$0x3FDB];
	s0 =	simm.s32 @p2 $0x1  }
0x17: {  	s4 =	simm.s32 $0x1BF5;
	[smem:$0x3FB8] =	sst s0  }
0x18: {  	s0 =	sld [smem:$0x3F9B];
	_ =	swait.ge [sflag:s4], $0x0  }
0x19: {  	s7 =	sld [smem:$0x3F9C]  }
0x1a: {  	s8 =	sadd.s32 $0xFFFFE003, lr  }
0x1b: {  	s9 =	sadd.s32 $0xFFFFFEF7, lr;
	s5 =	simm.s32 $0xFFFFFFFF;
	p2 =	slt.u32 s8, $0xFFFFF086  }
0x1c: {  	p1 =	slt.u32 s9, $0xF7A;
	s5 =	simm.s32 @!p2 $0x0  }
0x1d: {  	s5 =	simm.s32 @p1 $0x1;
	p0 =	seq.s32 s7, s2  }
0x1e: {  	s7 =	smul.u32 @!p0 $0xF7A, s2;
	p2 =	seq.s32 @!p0 s5, $0x0  }
0x1f: {  	s9 =	smul.u32 $0xF7A, s1;
	s8 =	simm.s32 @!p0 $0x1BF5;
	p2 =	por !p2, p0  }
0x20: {  	[sflag:s8] =	ssyncset.s32 @!p0 $0xFFFFF086;
	s6 =	sadd.s32 @!p0 s3, s7;
	s7 =	simm.s32 @!p0 $0x108  }
0x21: {  	s3 =	sadd.s32 s3, s9;
	s6 =	sadd.s32 @!p0 $0x88, s6;
	s7 =	simm.s32 @p2 $0x1082  }
0x22: {  	[simem:s7], [sflag:s8] =	dma.local @!p0 [hbm:s6], $0xF7A  }
0x23: {  	s9 =	sor.u32 $0xD0000000, s2;
	s6 =	simm.s32 $0x108;
	_ =	swait.ge @!p0 [sflag:s8], $0x0  }
0x24: {  	s3 =	sadd.s32 $0x88, s3;
	s6 =	simm.s32 @!p1 $0x1082;
	[sflag:s4] =	ssyncset.s32 $0xFFFFF086  }
0x25: {  	[simem:s6], [sflag:s4] =	dma.local [hbm:s3], $0xF7A  }
0x26: {  	[smem:$0x3F9C] =	sst s1;
	(tag) =	ssettag s2;
	_ =	strace s9  }
0x27: {  	s1 =	sld [smem:$0x3FAC]  }
0x28: {  	s2 =	sld [smem:$0x3FAD]  }
0x29: {  	s4 =	sld [smem:$0x3FAF]  }
0x2a: {  	p0 =	seq.s32 s5, $0x0;
	s5 =	sld [smem:$0x3FB0]  }
0x2b: {  	s6 =	sld [smem:$0x3FB1]  }
0x2c: {  	s7 =	sld [smem:$0x3FB2]  }
0x2d: {  	s3 =	simm.s32 $0x108;
	s8 =	sld [smem:$0x3FB3]  }
0x2e: {  	s3 =	simm.s32 @!p0 $0x1082;
	s9 =	sld [smem:$0x3FB4]  }
0x2f: {  	lr =	sadd.s32 s0, s3;
	s0 =	sld [smem:$0x3FAB]  }
0x30: {  	s3 =	sld [smem:$0x3FAE]  }
0x31: {  	[smem:$0x3FB7] =	sst s10  }
0x32: {  	s10 =	sld [smem:$0x3FB5];
	_ =	sdelay $0x3  }
0x33: {  	p0 =	seq.s32 s10, $0x1;
	s10 =	sld [smem:$0x3FB7];
	_ =	sdelay $0x3  }
0x34: {  	[smem:$0x3FB7] =	sst s10  }
0x35: {  	s10 =	sld [smem:$0x3FB6];
	_ =	sdelay $0x3  }
0x36: {  	p1 =	seq.s32 s10, $0x1;
	s10 =	sld [smem:$0x3FB7];
	_ =	sdelay $0x3  }
0x37: {  	[smem:$0x3FB7] =	sst s10  }
0x38: {  	s10 =	sld [smem:$0x3FB8]  }
0x39: {  	_ = 	snop;
	(pc) =	sbr.ind lr, $3  }
0x3a: {  	_ = 	snop  }
0x3b: {  	_ = 	snop  }
0x3c: {  	p2 =	seq.s32 s10, $0x1;
	s10 =	sld [smem:$0x3FB7]  }
0x3d: {  	_ =	shalt  }
0x3e: {  	_ =	shalt  }
0x3f: {  	_ =	shalt  }
0x40: {  	_ =	shalt  }
0x41: {  	_ =	shalt  }
0x42: {  	_ =	shalt  }
0x43: {  	_ =	shalt  }
0x44: {  	_ =	shalt  }
0x45: {  	_ =	shalt  }
0x46: {  	_ =	shalt  }
0x47: {  	_ =	shalt  }
0x48: {  	_ =	shalt  }
0x49: {  	_ =	shalt  }
0x4a: {  	_ =	shalt  }
0x4b: {  	_ =	shalt  }
0x4c: {  	_ =	shalt  }
0x4d: {  	_ =	shalt  }
0x4e: {  	_ =	shalt  }
0x4f: {  	_ =	shalt  }
0x50: {  	_ =	shalt  }
0x51: {  	_ =	shalt  }
0x52: {  	_ =	shalt  }
0x53: {  	_ =	shalt  }
0x54: {  	_ =	shalt  }
0x55: {  	_ =	shalt  }
0x56: {  	_ =	shalt  }
0x57: {  	_ =	shalt  }
0x58: {  	_ =	shalt  }
0x59: {  	_ =	shalt  }
0x5a: {  	_ =	shalt  }
0x5b: {  	_ =	shalt  }
0x5c: {  	_ =	shalt  }
0x5d: {  	_ =	shalt  }
0x5e: {  	_ =	shalt  }
0x5f: {  	_ =	shalt  }
0x60: {  	_ =	shalt  }
0x61: {  	_ =	shalt  }
0x62: {  	_ =	shalt  }
0x63: {  	_ =	shalt  }
0x64: {  	_ =	shalt  }
0x65: {  	_ =	shalt  }
0x66: {  	_ =	shalt  }
0x67: {  	_ =	shalt  }
0x68: {  	_ =	shalt  }
0x69: {  	_ =	shalt  }
0x6a: {  	_ =	shalt  }
0x6b: {  	_ =	shalt  }
0x6c: {  	_ =	shalt  }
0x6d: {  	_ =	shalt  }
0x6e: {  	_ =	shalt  }
0x6f: {  	_ =	shalt  }
0x70: {  	_ =	shalt  }
0x71: {  	_ =	shalt  }
0x72: {  	_ =	shalt  }
0x73: {  	_ =	shalt  }
0x74: {  	_ =	shalt  }
0x75: {  	_ =	shalt  }
0x76: {  	_ =	shalt  }
0x77: {  	_ =	shalt  }
0x78: {  	_ =	shalt  }
0x79: {  	_ =	shalt  }
0x7a: {  	_ =	shalt  }
0x7b: {  	_ =	shalt  }
0x7c: {  	_ =	shalt  }
0x7d: {  	_ =	shalt  }
0x7e: {  	_ =	shalt  }
0x7f: {  	_ =	shalt  }
0x80: {  	_ =	shalt  }
0x81: {  	_ =	shalt  }
0x82: {  	_ =	shalt  }
0x83: {  	_ =	shalt  }
0x84: {  	_ =	shalt  }
0x85: {  	_ =	shalt  }
0x86: {  	_ =	shalt  }
0x87: {  	_ =	shalt  }
.Lfunc_end0:
.L_simem_size_0:
called_computation_lowered:
.L_overlay_start_0:
0x88: {  	s2 =	sld [smem:$0x3FD9]  }
0x89: {  	s3 =	sld [smem:$0x3FFE];
	_ =	sdelay $0x1  }
0x8a: {  	s1 =	srdreg.scid  }
0x8b: {  	s0 =	sand.u32 $0x1, s1  }
0x8c: {  	s15 =	sshll.u32 s0, $0xA;
	s2 =	sadd.s32 s3, s2  }
0x8d: {  	s2 =	sadd.s32 s2, s15  }
0x8e: {  	[smem:$0x3FC3] =	sst s2  }
0x8f: {  	_ = 	snop  }
0x90: {  	s2 =	sld [smem:$0x3FC9]  }
0x91: {  	s16 =	sld [smem:$0x3FC8]  }
0x92: {  	s4 =	sld [smem:$0x3FD0]  }
0x93: {  	s5 =	sld [smem:$0x3FC7]  }
0x94: {  	s6 =	sld [smem:$0x3FC6]  }
0x95: {  	s8 =	simm.s32 $0xA;
	s9 =	simm.s32 $0x10;
	s7 =	sld [smem:$0x3FC5]  }
0x96: {  	[smem:s9], [sflag:s8] =	dma.local [hbm:s4], $0x1  }
0x97: {  	_ =	swait.eq [sflag:s8], $0x1  }
0x98: {  	[sflag:s8] =	ssyncset.done $0x0  }
0x99: {  	s17 =	sld [smem:$0x10];
	[sflag:s8] =	ssyncadd.s32 $0xFFFFFFFF  }
0x9a: {  	s18 =	sld [smem:$0x11];
	(tm) =	ssettm $0x1  }
0x9b: {  	s19 =	sld [smem:$0x3FFB];
	_ =	sdelay $0x3  }
0x9c: {  	_ =	strace s19  }
0x9d: {  	s9 =	sld [smem:$0x3FFC];
	_ =	sdelay $0x3  }
0x9e: {  	_ =	strace s9  }
0x9f: {  	s9 =	sld [smem:$0x3FFD];
	_ =	sdelay $0x3  }
0xa0: {  	_ =	strace s9  }
0xa1: {  	_ =	strace $0x8FFFFFFF  }
0xa2: {  	s20 =	sld [smem:$0x3FDB];
	_ =	sdelay $0x1  }
0xa3: {  	s10 =	simm.s32 $_scs_section_size  }
0xa4: {  	s11 =	simm.s32 $_size__tile_overlayer_lowered;
	s12 =	simm.s32 $_tile_overlayer_lowered  }
0xa5: {  	s23 =	simm.s32 $0x1BFF;
	s22 =	sshll.u32 s12, $0x1;
	s9 =	sadd.s32 s10, s20  }
0xa6: {  	s13 =	simm.s32 $0x0;
	s21 =	sshll.u32 s11, $0x1;
	s11 =	sadd.s32 s22, s9  }
0xa7: {  	[timem:s13], [sflag:s23] =	dma.local [hbm:s11], s21  }
0xa8: {  	_ =	swait.ge [sflag:s23], s21  }
0xa9: {  	s10 =	ssub.s32 $0x0, s21;
	[sflag:s23] =	ssyncset.done $0x0  }
0xaa: {  	[sflag:s23] =	ssyncadd.s32 s10;
	_ =	sdelay $0x1  }
0xab: {  	s24 =	simm.s32 $0x1B8B  }
0xac: {  	_ =	swait.ge [sflag:s24], $0x1  }
0xad: {  	[sflag:s24] =	ssyncset.done $0x0  }
0xae: {  	s25 =	simm.s32 $0x1B8E;
	[sflag:s24] =	ssyncadd.s32 $0xFFFFFFFF  }
0xaf: {  	s26 =	simm.s32 $execute0_lowered;
	[smem:$0x3FD2] =	sst s25  }
0xb0: {  	s10 =	sshll.u32 s26, $0x1;
	_ =	strace $0x80000046;
	[dreg:$0x1] =	wrdreg $0xFFFFFFFF  }
0xb1: {  	s28 =	simm.s32 $_size_execute0_lowered;
	s9 =	sadd.s32 s9, s10;
	[dreg:$0x0] =	wrdreg $0x0  }
0xb2: {  	s10 =	sshll.u32 s28, $0x1;
	[dreg:$0x2] =	wrdreg s9  }
0xb3: {  	[dreg:$0x3] =	wrdreg s10  }
0xb4: {  	[dreg:$0x4] =	wrdreg $0xC0  }
0xb5: {  	_ =	task [dreg:s13], $0x5FFFF  }
0xb6: {  	[dreg:$0x1] =	wrdreg $0xFFFFFFFF  }
0xb7: {  	[dreg:$0x0] =	wrdreg $0x60  }
0xb8: {  	[dreg:$0x2] =	wrdreg s2  }
0xb9: {  	[dreg:$0x3] =	wrdreg s16  }
0xba: {  	[dreg:$0x4] =	wrdreg s5  }
0xbb: {  	[dreg:$0x5] =	wrdreg s6  }
0xbc: {  	[dreg:$0x6] =	wrdreg s7  }
0xbd: {  	[dreg:$0x7] =	wrdreg s17  }
0xbe: {  	[dreg:$0x8] =	wrdreg s18  }
0xbf: {  	[dreg:$0x9] =	wrdreg $0xC000  }
0xc0: {  	[dreg:$0xa] =	wrdreg $0x9  }
0xc1: {  	_ =	task.clear_ibuf [dreg:s13], $0xBFFFF;
	_ =	strace $0x90000046  }
0xc2: {  	s29 =	simm.s32 $0x9;
	_ =	strace $0x80000048  }
0xc3: {  	_ =	swait.ge [sflag:s29], $0x1  }
0xc4: {  	[sflag:s29] =	ssyncadd.s32 $0xFFFFFFFF  }
0xc5: {  	_ =	strace $0x90000048  }
0xc6: {  	_ =	sfence  }
0xc7: {  	s30 =	sld [smem:$0x0];
	_ =	sdelay $0x2  }
0xc8: {  	s31 =	sshll.u32 s1, $0xD;
	s1 =	sshrl.u32 s1, $0x2  }
0xc9: {  	s3 =	sand.u32 $0x4000, s31;
	s1 =	sadd.s32 s1, s30  }
0xca: {  	s0 =	sor.u32 s3, s0;
	s1 =	sshll.u32 s1, $0x11  }
0xcb: {  	s0 =	sor.u32 s1, s0  }
0xcc: {  	s0 =	sadd.s32 $0x8F2B, s0  }
0xcd: {  	[sflag:s0] =	ssyncadd.remote.s32 $0x1  }
0xce: {  	_ =	sfence.sel $0xFFFF  }
0xcf: {  	[dreg:$0x0] =	wrdreg $0xFFFFFFFF;
	(pc) =	sbr.abs _section_cstart, $3  }
0xd0: {  	[dreg:$0x1] =	wrdreg $0xFFFFFFFF  }
0xd1: {  	_ =	task.clear_ibuf [dreg:s13], $0x2FFFF;
	_ =	strace $0x9FFFFFFF  }
0xd2: {  	(tm) =	ssettm $0x7FFFFFFF  }
0xd3: {  	_ =	shalt  }
tec
execute0_lowered:
.L_overlay_start_1:
0x0: {  	(tag) =	ssettag $0x1  }
0x1: {  	s0 =	rddreg [dreg:$0x0]  }
0x2: {  	s1 =	rddreg [dreg:$0x1]  }
0x3: {  	s2 =	rddreg [dreg:$0x2]  }
0x4: {  	s3 =	rddreg [dreg:$0x3]  }
0x5: {  	s4 =	rddreg [dreg:$0x4]  }
0x6: {  	s6 =	rddreg [dreg:$0x7];
	s5 =	srdreg.scid  }
0x7: {  	s7 =	simm.s32 $0x0;
	s11 =	stileid.u32;
	s15 =	simm.s32 $0x3  }
0x8: {  	s16 =	simm.s32 $0x400;
	s17 =	simm.s32 $0x80;
	s18 =	simm.s32 $0x800  }
0x9: {  	s19 =	simm.s32 $0x880;
	s29 =	simm.s32 $0x100;
	s21 =	simm.s32 $0x900  }
0xa: {  	s31 =	simm.s32 $0x180;
	s28 =	simm.s32 $0xA80;
	s30 =	simm.s32 $0xB00  }
0xb: {  	s20 =	simm.s32 $0x2;
	s5 =	sand.u32 $0x1, s5;
	s9 =	smul.u32 $0xC38, s11  }
0xc: {  	[smem:$0x7FF] =	sst s7;
	s24 =	sshll.u32 s11, $0x6;
	s25 =	smul.u32 $0x1900, s11  }
0xd: {  	s8 =	ssub.s32 $0x2, s5;
	_ =	strace $0x80000047;
	p0 =	seq.s32 s5, $0x1  }
0xe: {  	s24 =	sor.u32 $0x1C03, s24;
	s5 =	simm.s32 $0x1;
	s10 =	sshrl.u32 s8, $0x1  }
0xf: {  	s23 =	sadd.s32 s9, s6;
	s12 =	sshrl.u32 s9, $0x3;
	s13 =	sadd.s32 s25, s2  }
.Ltmp0:
0x10: {  	s2 =	simm.s32 $0xB80;
	[dreg:$0xc] =	wrdreg s24;
	(pc) =	sbr.rel .LBB2_1-.Ltmp0, $4  }
0x11: {  	s8 =	ssub.s32 s8, s10;
	[dreg:$0x9] =	wrdreg s12;
	s4 =	sadd.s32 s4, s12  }
0x12: {  	s12 =	sadd.s32 s25, s3;
	[dreg:$0xa] =	wrdreg s4;
	s26 =	smax.u32 s8, $0x1  }
0x13: {  	s25 =	simm.s32 $0xA00;
	[dreg:$0xb] =	wrdreg s26;
	s26 =	sshrl.u32 s23, $0x3  }
0x14: {  	s3 =	simm.s32 $0x0;
	s23 =	simm.s32 $0x980;
	[dreg:$0xd] =	wrdreg s26  }
.LBB2_7:
0x15: {  	s24 =	sadd.s32 s22, s13;
	[sflag:s20] =	ssyncadd.s32 $0xFFFFFF80  }
0x16: {  	[tilespmem:s7], [sflag:$0x3] =	stream.linear.gather [hbm4b:s24+s7], $0x400, $0x38;
	[tilespmem:$0x1838] =	vst v63  }
0x17: {  	_ =	swait.ge [sflag:s15], $0x400  }
0x18: {  	[sflag:s15] =	ssyncset.done $0x0  }
0x19: {  	s26 =	sadd.s32 s22, s12;
	[sflag:s15] =	ssyncadd.s32 $0xFFFFFC00  }
0x1a: {  	[tilespmem:s16], [sflag:$0x3] =	stream.linear.gather [hbm4b:s26+s7], $0x400, $0x38;
	[tilespmem:$0x1838] =	vst v63  }
0x1b: {  	_ =	swait.ge [sflag:s15], $0x400  }
0x1c: {  	[sflag:s15] =	ssyncset.done $0x0  }
0x1d: {  	[sflag:s15] =	ssyncadd.s32 $0xFFFFFC00  }
0x1e: {  	[tilespmem:s18], [sflag:$0x1] =	stream.indirect.gather [hbm4b:s1+s17], $0x1, s7, s17, $0xb8;
	[tilespmem:$0x1838] =	vst v63  }
0x1f: {  	_ = 	snop  }
0x20: {  	[tilespmem:s19], [sflag:$0x1] =	stream.indirect.gather [hbm4b:s1+s17], $0x1, s17, s17, $0xb8;
	[tilespmem:$0x1838] =	vst v63  }
0x21: {  	_ = 	snop  }
0x22: {  	[tilespmem:s21], [sflag:$0x1] =	stream.indirect.gather [hbm4b:s1+s17], $0x1, s29, s17, $0xb8;
	[tilespmem:$0x1838] =	vst v63  }
0x23: {  	_ = 	snop  }
0x24: {  	[tilespmem:s23], [sflag:$0x1] =	stream.indirect.gather [hbm4b:s1+s17], $0x1, s31, s17, $0xb8;
	[tilespmem:$0x1838] =	vst v63  }
0x25: {  	_ = 	snop  }
0x26: {  	[tilespmem:s25], [sflag:$0x1] =	stream.indirect.gather [hbm4b:s1+s17], $0x1, s3, s17, $0xb8;
	[tilespmem:$0x1838] =	vst v63  }
0x27: {  	_ = 	snop  }
0x28: {  	[tilespmem:s28], [sflag:$0x1] =	stream.indirect.gather [hbm4b:s1+s17], $0x1, s4, s17, $0xb8;
	[tilespmem:$0x1838] =	vst v63  }
0x29: {  	_ = 	snop  }
0x2a: {  	[tilespmem:s30], [sflag:$0x1] =	stream.indirect.gather [hbm4b:s1+s17], $0x1, s9, s17, $0xb8;
	[tilespmem:$0x1838] =	vst v63  }
0x2b: {  	_ = 	snop  }
0x2c: {  	[tilespmem:s2], [sflag:$0x1] =	stream.indirect.gather [hbm4b:s1+s17], $0x1, s10, s17, $0xb8;
	[tilespmem:$0x1838] =	vst v63  }
0x2d: {  	_ =	swait.ge [sflag:s5], $0x80  }
0x2e: {  	[sflag:s5] =	ssyncset.done $0x0  }
0x2f: {  	[sflag:s5] =	ssyncadd.s32 $0xFFFFFF80  }
0x30: {  	_ =	swait.ge [sflag:s5], $0x80  }
0x31: {  	[sflag:s5] =	ssyncset.done $0x0  }
0x32: {  	[sflag:s5] =	ssyncadd.s32 $0xFFFFFF80  }
0x33: {  	_ =	swait.ge [sflag:s5], $0x80  }
0x34: {  	[sflag:s5] =	ssyncset.done $0x0  }
0x35: {  	[sflag:s5] =	ssyncadd.s32 $0xFFFFFF80  }
0x36: {  	_ =	swait.ge [sflag:s5], $0x80  }
0x37: {  	[sflag:s5] =	ssyncset.done $0x0  }
0x38: {  	[sflag:s5] =	ssyncadd.s32 $0xFFFFFF80  }
0x39: {  	_ =	swait.ge [sflag:s5], $0x80  }
0x3a: {  	[sflag:s5] =	ssyncset.done $0x0  }
0x3b: {  	[sflag:s5] =	ssyncadd.s32 $0xFFFFFF80  }
0x3c: {  	_ =	swait.ge [sflag:s5], $0x80  }
0x3d: {  	[sflag:s5] =	ssyncset.done $0x0  }
0x3e: {  	[sflag:s5] =	ssyncadd.s32 $0xFFFFFF80  }
0x3f: {  	_ =	swait.ge [sflag:s5], $0x80  }
0x40: {  	[sflag:s5] =	ssyncset.done $0x0  }
0x41: {  	[sflag:s5] =	ssyncadd.s32 $0xFFFFFF80  }
0x42: {  	_ =	swait.ge [sflag:s5], $0x80  }
0x43: {  	[sflag:s5] =	ssyncset.done $0x0  }
0x44: {  	[sflag:s5] =	ssyncadd.s32 $0xFFFFFF80  }
0x45: {  	[spmem:s6] =	stream.indirect.scatter.add.f32 [tilespmem:s18], [sflag:$0x2], $0x1, s16, s17, $0xb8;
	[tilespmem:$0x1838] =	vst v63  }
0x46: {  	_ = 	snop  }
0x47: {  	[spmem:s6] =	stream.indirect.scatter.add.f32 [tilespmem:s19], [sflag:$0x2], $0x1, s8, s17, $0xb8;
	[tilespmem:$0x1838] =	vst v63  }
0x48: {  	_ = 	snop  }
0x49: {  	[spmem:s6] =	stream.indirect.scatter.add.f32 [tilespmem:s21], [sflag:$0x2], $0x1, s11, s17, $0xb8;
	[tilespmem:$0x1838] =	vst v63  }
0x4a: {  	_ = 	snop  }
0x4b: {  	[spmem:s6] =	stream.indirect.scatter.add.f32 [tilespmem:s23], [sflag:$0x2], $0x1, s14, s17, $0xb8;
	[tilespmem:$0x1838] =	vst v63  }
0x4c: {  	s14 =	simm.s32 $0x600  }
0x4d: {  	[spmem:s6] =	stream.indirect.scatter.add.f32 [tilespmem:s25], [sflag:$0x2], $0x1, s14, s17, $0xb8;
	[tilespmem:$0x1838] =	vst v63  }
0x4e: {  	s22 =	simm.s32 $0x680  }
0x4f: {  	[spmem:s6] =	stream.indirect.scatter.add.f32 [tilespmem:s28], [sflag:$0x2], $0x1, s22, s17, $0xb8;
	[tilespmem:$0x1838] =	vst v63  }
0x50: {  	s24 =	simm.s32 $0x700  }
0x51: {  	[spmem:s6] =	stream.indirect.scatter.add.f32 [tilespmem:s30], [sflag:$0x2], $0x1, s24, s17, $0xb8;
	[tilespmem:$0x1838] =	vst v63  }
0x52: {  	s26 =	simm.s32 $0x780  }
0x53: {  	[spmem:s6] =	stream.indirect.scatter.add.f32 [tilespmem:s2], [sflag:$0x2], $0x1, s26, s17, $0xb8;
	[tilespmem:$0x1838] =	vst v63  }
0x54: {  	_ =	swait.ge [sflag:s20], $0x80  }
0x55: {  	[sflag:s20] =	ssyncset.done $0x0  }
0x56: {  	[sflag:s20] =	ssyncadd.s32 $0xFFFFFF80  }
0x57: {  	_ =	swait.ge [sflag:s20], $0x80  }
0x58: {  	[sflag:s20] =	ssyncset.done $0x0  }
0x59: {  	[sflag:s20] =	ssyncadd.s32 $0xFFFFFF80  }
0x5a: {  	_ =	swait.ge [sflag:s20], $0x80  }
0x5b: {  	[sflag:s20] =	ssyncset.done $0x0  }
0x5c: {  	[sflag:s20] =	ssyncadd.s32 $0xFFFFFF80  }
0x5d: {  	_ =	swait.ge [sflag:s20], $0x80  }
0x5e: {  	[sflag:s20] =	ssyncset.done $0x0  }
0x5f: {  	[sflag:s20] =	ssyncadd.s32 $0xFFFFFF80  }
0x60: {  	_ =	swait.ge [sflag:s20], $0x80  }
0x61: {  	[sflag:s20] =	ssyncset.done $0x0  }
0x62: {  	[sflag:s20] =	ssyncadd.s32 $0xFFFFFF80  }
0x63: {  	_ =	swait.ge [sflag:s20], $0x80  }
0x64: {  	[sflag:s20] =	ssyncset.done $0x0  }
0x65: {  	[sflag:s20] =	ssyncadd.s32 $0xFFFFFF80  }
0x66: {  	_ =	swait.ge [sflag:s20], $0x80  }
0x67: {  	[sflag:s20] =	ssyncset.done $0x0  }
0x68: {  	[sflag:s20] =	ssyncadd.s32 $0xFFFFFF80  }
0x69: {  	_ =	swait.ge [sflag:s20], $0x80  }
0x6a: {  	[sflag:s20] =	ssyncset.done $0x0  }
0x6b: {  	s3 =	rddreg [dreg:$0xe];
	[sflag:s20] =	ssyncadd.s32 $0xFFFFFF80  }
0x6c: {  	s22 =	rddreg [dreg:$0x6]  }
.LBB2_8:
0x6d: {  	s24 =	rddreg [dreg:$0x9];
	[bflag:$0x0] =	sbarrier.arrive $0xFFFF  }
0x6e: {  	s22 =	sadd.s32 s22, s24;
	s24 =	rddreg [dreg:$0xc]  }
0x6f: {  	s26 =	rddreg [dreg:$0xd]  }
0x70: {  	[hbm:s22], [sflag:s24] =	dma.local [spmem:s26], $0x187  }
0x71: {  	_ =	swait.ge [sflag:s15], $0x187  }
0x72: {  	s3 =	sadd.s32 $0x1, s3;
	s14 =	rddreg [dreg:$0xb]  }
0x73: {  	p1 =	sne.s32 s3, s14  }
.Ltmp1:
0x74: {  	_ = 	snop;
	(pc) =	sbr.rel @!p1 .LBB2_9-.Ltmp1, $3  }
0x75: {  	_ =	sdelay $0x1  }
0x76: {  	[sflag:s15] =	ssyncset.done $0x0  }
0x77: {  	[sflag:s15] =	ssyncadd.s32 $0xFFFFFE79  }
.LBB2_1:
0x78: {  	[dreg:$0xe] =	wrdreg s3  }
0x79: {  	s22 =	rddreg [dreg:$0xa]  }
0x7a: {  	[spmem:s26], [sflag:s24] =	dma.local [hbm:s22], $0x187  }
.Ltmp2:
0x7b: {  	_ =	swait.ge [sflag:s15], $0x187;
	(pc) =	sbr.rel @!p0 .LBB2_2-.Ltmp2, $4  }
0x7c: {  	[sflag:s15] =	ssyncset.done $0x0  }
0x7d: {  	[sflag:s15] =	ssyncadd.s32 $0xFFFFFE79  }
0x7e: {  	[bflag:$0x0] =	sbarrier.arrive $0xFFFF  }
0x7f: {  	s22 =	sadd.s32 $0x0, s13  }
0x80: {  	[tilespmem:s7], [sflag:$0x3] =	stream.linear.gather [hbm4b:s22+s7], $0x400, $0x38;
	[tilespmem:$0x1838] =	vst v63  }
0x81: {  	_ =	swait.ge [sflag:s15], $0x400  }
0x82: {  	[sflag:s15] =	ssyncset.done $0x0  }
0x83: {  	s14 =	sadd.s32 $0x0, s12;
	[sflag:s15] =	ssyncadd.s32 $0xFFFFFC00  }
0x84: {  	[tilespmem:s16], [sflag:$0x3] =	stream.linear.gather [hbm4b:s14+s7], $0x400, $0x38;
	[tilespmem:$0x1838] =	vst v63  }
0x85: {  	_ =	swait.ge [sflag:s15], $0x400  }
0x86: {  	[sflag:s15] =	ssyncset.done $0x0  }
0x87: {  	[sflag:s15] =	ssyncadd.s32 $0xFFFFFC00  }
0x88: {  	[tilespmem:s18], [sflag:$0x1] =	stream.indirect.gather [hbm4b:s1+s17], $0x1, s7, s17, $0xb8;
	[tilespmem:$0x1838] =	vst v63  }
0x89: {  	_ = 	snop  }
0x8a: {  	[tilespmem:s19], [sflag:$0x1] =	stream.indirect.gather [hbm4b:s1+s17], $0x1, s17, s17, $0xb8;
	[tilespmem:$0x1838] =	vst v63  }
0x8b: {  	_ = 	snop  }
0x8c: {  	[tilespmem:s21], [sflag:$0x1] =	stream.indirect.gather [hbm4b:s1+s17], $0x1, s29, s17, $0xb8;
	[tilespmem:$0x1838] =	vst v63  }
0x8d: {  	_ = 	snop  }
0x8e: {  	[tilespmem:s23], [sflag:$0x1] =	stream.indirect.gather [hbm4b:s1+s17], $0x1, s31, s17, $0xb8;
	[tilespmem:$0x1838] =	vst v63  }
0x8f: {  	s3 =	simm.s32 $0x200  }
0x90: {  	[tilespmem:s25], [sflag:$0x1] =	stream.indirect.gather [hbm4b:s1+s17], $0x1, s3, s17, $0xb8;
	[tilespmem:$0x1838] =	vst v63  }
0x91: {  	s4 =	simm.s32 $0x280  }
0x92: {  	[tilespmem:s28], [sflag:$0x1] =	stream.indirect.gather [hbm4b:s1+s17], $0x1, s4, s17, $0xb8;
	[tilespmem:$0x1838] =	vst v63  }
0x93: {  	s9 =	simm.s32 $0x300  }
0x94: {  	[tilespmem:s30], [sflag:$0x1] =	stream.indirect.gather [hbm4b:s1+s17], $0x1, s9, s17, $0xb8;
	[tilespmem:$0x1838] =	vst v63  }
0x95: {  	s10 =	simm.s32 $0x380  }
0x96: {  	[tilespmem:s2], [sflag:$0x1] =	stream.indirect.gather [hbm4b:s1+s17], $0x1, s10, s17, $0xb8;
	[tilespmem:$0x1838] =	vst v63  }
0x97: {  	_ =	swait.ge [sflag:s5], $0x80  }
0x98: {  	[sflag:s5] =	ssyncset.done $0x0  }
0x99: {  	[sflag:s5] =	ssyncadd.s32 $0xFFFFFF80  }
0x9a: {  	_ =	swait.ge [sflag:s5], $0x80  }
0x9b: {  	[sflag:s5] =	ssyncset.done $0x0  }
0x9c: {  	[sflag:s5] =	ssyncadd.s32 $0xFFFFFF80  }
0x9d: {  	_ =	swait.ge [sflag:s5], $0x80  }
0x9e: {  	[sflag:s5] =	ssyncset.done $0x0  }
0x9f: {  	[sflag:s5] =	ssyncadd.s32 $0xFFFFFF80  }
0xa0: {  	_ =	swait.ge [sflag:s5], $0x80  }
0xa1: {  	[sflag:s5] =	ssyncset.done $0x0  }
0xa2: {  	[sflag:s5] =	ssyncadd.s32 $0xFFFFFF80  }
0xa3: {  	_ =	swait.ge [sflag:s5], $0x80  }
0xa4: {  	[sflag:s5] =	ssyncset.done $0x0  }
0xa5: {  	[sflag:s5] =	ssyncadd.s32 $0xFFFFFF80  }
0xa6: {  	_ =	swait.ge [sflag:s5], $0x80  }
0xa7: {  	[sflag:s5] =	ssyncset.done $0x0  }
0xa8: {  	[sflag:s5] =	ssyncadd.s32 $0xFFFFFF80  }
0xa9: {  	_ =	swait.ge [sflag:s5], $0x80  }
0xaa: {  	[sflag:s5] =	ssyncset.done $0x0  }
0xab: {  	[sflag:s5] =	ssyncadd.s32 $0xFFFFFF80  }
0xac: {  	_ =	swait.ge [sflag:s5], $0x80  }
0xad: {  	[sflag:s5] =	ssyncset.done $0x0  }
0xae: {  	[sflag:s5] =	ssyncadd.s32 $0xFFFFFF80  }
0xaf: {  	[spmem:s6] =	stream.indirect.scatter.add.f32 [tilespmem:s18], [sflag:$0x2], $0x1, s16, s17, $0xb8;
	[tilespmem:$0x1838] =	vst v63  }
0xb0: {  	s8 =	simm.s32 $0x480  }
0xb1: {  	[spmem:s6] =	stream.indirect.scatter.add.f32 [tilespmem:s19], [sflag:$0x2], $0x1, s8, s17, $0xb8;
	[tilespmem:$0x1838] =	vst v63  }
0xb2: {  	s11 =	simm.s32 $0x500  }
0xb3: {  	[spmem:s6] =	stream.indirect.scatter.add.f32 [tilespmem:s21], [sflag:$0x2], $0x1, s11, s17, $0xb8;
	[tilespmem:$0x1838] =	vst v63  }
0xb4: {  	s14 =	simm.s32 $0x580  }
0xb5: {  	[spmem:s6] =	stream.indirect.scatter.add.f32 [tilespmem:s23], [sflag:$0x2], $0x1, s14, s17, $0xb8;
	[tilespmem:$0x1838] =	vst v63  }
0xb6: {  	s24 =	simm.s32 $0x600  }
0xb7: {  	[spmem:s6] =	stream.indirect.scatter.add.f32 [tilespmem:s25], [sflag:$0x2], $0x1, s24, s17, $0xb8;
	[tilespmem:$0x1838] =	vst v63  }
0xb8: {  	s26 =	simm.s32 $0x680  }
0xb9: {  	[spmem:s6] =	stream.indirect.scatter.add.f32 [tilespmem:s28], [sflag:$0x2], $0x1, s26, s17, $0xb8;
	[tilespmem:$0x1838] =	vst v63  }
0xba: {  	s29 =	simm.s32 $0x700  }
0xbb: {  	[spmem:s6] =	stream.indirect.scatter.add.f32 [tilespmem:s30], [sflag:$0x2], $0x1, s29, s17, $0xb8;
	[tilespmem:$0x1838] =	vst v63  }
0xbc: {  	s31 =	simm.s32 $0x780  }
0xbd: {  	[spmem:s6] =	stream.indirect.scatter.add.f32 [tilespmem:s2], [sflag:$0x2], $0x1, s31, s17, $0xb8;
	[tilespmem:$0x1838] =	vst v63  }
0xbe: {  	_ =	swait.ge [sflag:s20], $0x80  }
0xbf: {  	[sflag:s20] =	ssyncset.done $0x0  }
0xc0: {  	[sflag:s20] =	ssyncadd.s32 $0xFFFFFF80  }
0xc1: {  	_ =	swait.ge [sflag:s20], $0x80  }
0xc2: {  	[sflag:s20] =	ssyncset.done $0x0  }
0xc3: {  	[sflag:s20] =	ssyncadd.s32 $0xFFFFFF80  }
0xc4: {  	_ =	swait.ge [sflag:s20], $0x80  }
0xc5: {  	[sflag:s20] =	ssyncset.done $0x0  }
0xc6: {  	[sflag:s20] =	ssyncadd.s32 $0xFFFFFF80  }
0xc7: {  	_ =	swait.ge [sflag:s20], $0x80  }
0xc8: {  	[sflag:s20] =	ssyncset.done $0x0  }
0xc9: {  	[sflag:s20] =	ssyncadd.s32 $0xFFFFFF80  }
0xca: {  	_ =	swait.ge [sflag:s20], $0x80  }
0xcb: {  	[sflag:s20] =	ssyncset.done $0x0  }
0xcc: {  	[sflag:s20] =	ssyncadd.s32 $0xFFFFFF80  }
0xcd: {  	_ =	swait.ge [sflag:s20], $0x80  }
0xce: {  	[sflag:s20] =	ssyncset.done $0x0  }
0xcf: {  	[sflag:s20] =	ssyncadd.s32 $0xFFFFFF80  }
0xd0: {  	_ =	swait.ge [sflag:s20], $0x80  }
0xd1: {  	[sflag:s20] =	ssyncset.done $0x0  }
0xd2: {  	[sflag:s20] =	ssyncadd.s32 $0xFFFFFF80  }
0xd3: {  	_ =	swait.ge [sflag:s20], $0x80  }
0xd4: {  	s22 =	simm.s32 $0x80;
	s26 =	simm.s32 $0x100;
	[sflag:s20] =	ssyncset.done $0x0  }
.LBB2_6:
0xd5: {  	s29 =	sadd.s32 s22, s13  }
0xd6: {  	[sflag:s20] =	ssyncadd.s32 $0xFFFFFF80;
	s31 =	smov.u32 s26;
	s24 =	sadd.s32 $0x80, s26  }
0xd7: {  	[tilespmem:s7], [sflag:$0x3] =	stream.linear.gather [hbm4b:s29+s7], $0x400, $0x38;
	[tilespmem:$0x1838] =	vst v63  }
0xd8: {  	s29 =	simm.s32 $0x100  }
0xd9: {  	p1 =	sne.s32 s26, $0x1880;
	_ =	swait.ge [sflag:s15], $0x400  }
0xda: {  	s26 =	sadd.s32 s22, s12;
	[sflag:s15] =	ssyncset.done $0x0  }
0xdb: {  	s22 =	smov.u32 s31;
	s31 =	simm.s32 $0x180;
	[sflag:s15] =	ssyncadd.s32 $0xFFFFFC00  }
0xdc: {  	[tilespmem:s16], [sflag:$0x3] =	stream.linear.gather [hbm4b:s26+s7], $0x400, $0x38;
	[tilespmem:$0x1838] =	vst v63  }
0xdd: {  	_ =	swait.ge [sflag:s15], $0x400  }
0xde: {  	[sflag:s15] =	ssyncset.done $0x0  }
0xdf: {  	[sflag:s15] =	ssyncadd.s32 $0xFFFFFC00  }
0xe0: {  	[tilespmem:s18], [sflag:$0x1] =	stream.indirect.gather [hbm4b:s1+s17], $0x1, s7, s17, $0xb8;
	[tilespmem:$0x1838] =	vst v63  }
0xe1: {  	_ = 	snop  }
0xe2: {  	[tilespmem:s19], [sflag:$0x1] =	stream.indirect.gather [hbm4b:s1+s17], $0x1, s17, s17, $0xb8;
	[tilespmem:$0x1838] =	vst v63  }
0xe3: {  	_ = 	snop  }
0xe4: {  	[tilespmem:s21], [sflag:$0x1] =	stream.indirect.gather [hbm4b:s1+s17], $0x1, s29, s17, $0xb8;
	[tilespmem:$0x1838] =	vst v63  }
0xe5: {  	_ = 	snop  }
0xe6: {  	[tilespmem:s23], [sflag:$0x1] =	stream.indirect.gather [hbm4b:s1+s17], $0x1, s31, s17, $0xb8;
	[tilespmem:$0x1838] =	vst v63  }
0xe7: {  	_ = 	snop  }
0xe8: {  	[tilespmem:s25], [sflag:$0x1] =	stream.indirect.gather [hbm4b:s1+s17], $0x1, s3, s17, $0xb8;
	[tilespmem:$0x1838] =	vst v63  }
0xe9: {  	_ = 	snop  }
0xea: {  	[tilespmem:s28], [sflag:$0x1] =	stream.indirect.gather [hbm4b:s1+s17], $0x1, s4, s17, $0xb8;
	[tilespmem:$0x1838] =	vst v63  }
0xeb: {  	_ = 	snop  }
0xec: {  	[tilespmem:s30], [sflag:$0x1] =	stream.indirect.gather [hbm4b:s1+s17], $0x1, s9, s17, $0xb8;
	[tilespmem:$0x1838] =	vst v63  }
0xed: {  	_ = 	snop  }
0xee: {  	[tilespmem:s2], [sflag:$0x1] =	stream.indirect.gather [hbm4b:s1+s17], $0x1, s10, s17, $0xb8;
	[tilespmem:$0x1838] =	vst v63  }
0xef: {  	_ =	swait.ge [sflag:s5], $0x80  }
0xf0: {  	[sflag:s5] =	ssyncset.done $0x0  }
0xf1: {  	[sflag:s5] =	ssyncadd.s32 $0xFFFFFF80  }
0xf2: {  	_ =	swait.ge [sflag:s5], $0x80  }
0xf3: {  	[sflag:s5] =	ssyncset.done $0x0  }
0xf4: {  	[sflag:s5] =	ssyncadd.s32 $0xFFFFFF80  }
0xf5: {  	_ =	swait.ge [sflag:s5], $0x80  }
0xf6: {  	[sflag:s5] =	ssyncset.done $0x0  }
0xf7: {  	[sflag:s5] =	ssyncadd.s32 $0xFFFFFF80  }
0xf8: {  	_ =	swait.ge [sflag:s5], $0x80  }
0xf9: {  	[sflag:s5] =	ssyncset.done $0x0  }
0xfa: {  	[sflag:s5] =	ssyncadd.s32 $0xFFFFFF80  }
0xfb: {  	_ =	swait.ge [sflag:s5], $0x80  }
0xfc: {  	[sflag:s5] =	ssyncset.done $0x0  }
0xfd: {  	[sflag:s5] =	ssyncadd.s32 $0xFFFFFF80  }
0xfe: {  	_ =	swait.ge [sflag:s5], $0x80  }
0xff: {  	[sflag:s5] =	ssyncset.done $0x0  }
0x100: {  	[sflag:s5] =	ssyncadd.s32 $0xFFFFFF80  }
0x101: {  	_ =	swait.ge [sflag:s5], $0x80  }
0x102: {  	[sflag:s5] =	ssyncset.done $0x0  }
0x103: {  	[sflag:s5] =	ssyncadd.s32 $0xFFFFFF80  }
0x104: {  	_ =	swait.ge [sflag:s5], $0x80  }
0x105: {  	[sflag:s5] =	ssyncset.done $0x0  }
0x106: {  	[sflag:s5] =	ssyncadd.s32 $0xFFFFFF80  }
0x107: {  	[spmem:s6] =	stream.indirect.scatter.add.f32 [tilespmem:s18], [sflag:$0x2], $0x1, s16, s17, $0xb8;
	[tilespmem:$0x1838] =	vst v63  }
0x108: {  	_ = 	snop  }
0x109: {  	[spmem:s6] =	stream.indirect.scatter.add.f32 [tilespmem:s19], [sflag:$0x2], $0x1, s8, s17, $0xb8;
	[tilespmem:$0x1838] =	vst v63  }
0x10a: {  	_ = 	snop  }
0x10b: {  	[spmem:s6] =	stream.indirect.scatter.add.f32 [tilespmem:s21], [sflag:$0x2], $0x1, s11, s17, $0xb8;
	[tilespmem:$0x1838] =	vst v63  }
0x10c: {  	_ = 	snop  }
0x10d: {  	[spmem:s6] =	stream.indirect.scatter.add.f32 [tilespmem:s23], [sflag:$0x2], $0x1, s14, s17, $0xb8;
	[tilespmem:$0x1838] =	vst v63  }
0x10e: {  	s26 =	simm.s32 $0x600  }
0x10f: {  	[spmem:s6] =	stream.indirect.scatter.add.f32 [tilespmem:s25], [sflag:$0x2], $0x1, s26, s17, $0xb8;
	[tilespmem:$0x1838] =	vst v63  }
0x110: {  	s26 =	simm.s32 $0x680  }
0x111: {  	[spmem:s6] =	stream.indirect.scatter.add.f32 [tilespmem:s28], [sflag:$0x2], $0x1, s26, s17, $0xb8;
	[tilespmem:$0x1838] =	vst v63  }
0x112: {  	s26 =	simm.s32 $0x700  }
0x113: {  	[spmem:s6] =	stream.indirect.scatter.add.f32 [tilespmem:s30], [sflag:$0x2], $0x1, s26, s17, $0xb8;
	[tilespmem:$0x1838] =	vst v63  }
0x114: {  	s26 =	simm.s32 $0x780  }
0x115: {  	[spmem:s6] =	stream.indirect.scatter.add.f32 [tilespmem:s2], [sflag:$0x2], $0x1, s26, s17, $0xb8;
	[tilespmem:$0x1838] =	vst v63  }
0x116: {  	_ =	swait.ge [sflag:s20], $0x80  }
0x117: {  	[sflag:s20] =	ssyncset.done $0x0  }
0x118: {  	[sflag:s20] =	ssyncadd.s32 $0xFFFFFF80  }
0x119: {  	_ =	swait.ge [sflag:s20], $0x80  }
0x11a: {  	[sflag:s20] =	ssyncset.done $0x0  }
0x11b: {  	[sflag:s20] =	ssyncadd.s32 $0xFFFFFF80  }
0x11c: {  	_ =	swait.ge [sflag:s20], $0x80  }
0x11d: {  	[sflag:s20] =	ssyncset.done $0x0  }
0x11e: {  	[sflag:s20] =	ssyncadd.s32 $0xFFFFFF80  }
0x11f: {  	_ =	swait.ge [sflag:s20], $0x80  }
0x120: {  	[sflag:s20] =	ssyncset.done $0x0  }
0x121: {  	[sflag:s20] =	ssyncadd.s32 $0xFFFFFF80  }
0x122: {  	_ =	swait.ge [sflag:s20], $0x80  }
0x123: {  	[sflag:s20] =	ssyncset.done $0x0  }
0x124: {  	[sflag:s20] =	ssyncadd.s32 $0xFFFFFF80  }
0x125: {  	_ =	swait.ge [sflag:s20], $0x80  }
0x126: {  	[sflag:s20] =	ssyncset.done $0x0  }
0x127: {  	[sflag:s20] =	ssyncadd.s32 $0xFFFFFF80  }
.Ltmp3:
0x128: {  	_ =	swait.ge [sflag:s20], $0x80;
	(pc) =	sbr.rel @p1 .LBB2_6-.Ltmp3, $4  }
0x129: {  	[sflag:s20] =	ssyncset.done $0x0  }
0x12a: {  	[sflag:s20] =	ssyncadd.s32 $0xFFFFFF80  }
0x12b: {  	_ =	swait.ge [sflag:s20], $0x80  }
0x12c: {  	s26 =	smov.u32 s24;
	[sflag:s20] =	ssyncset.done $0x0  }
.Ltmp4:
0x12d: {  	_ = 	snop;
	(pc) =	sbr.rel .LBB2_7-.Ltmp4, $1  }
0x12e: {  	_ =	sdelay $0x3  }
.LBB2_2:
0x12f: {  	[tilespmem:s7], [sflag:$0x3] =	stream.linear.gather [hbm4b:s22+s7], $0x400, $0x38;
	[tilespmem:$0x1838] =	vst v63  }
0x130: {  	_ =	swait.ge [sflag:s15], $0x400  }
0x131: {  	[sflag:s15] =	ssyncset.done $0x0  }
0x132: {  	s14 =	sadd.s32 $0x0, s12;
	[sflag:s15] =	ssyncadd.s32 $0xFFFFFC00  }
0x133: {  	[tilespmem:s16], [sflag:$0x3] =	stream.linear.gather [hbm4b:s14+s7], $0x400, $0x38;
	[tilespmem:$0x1838] =	vst v63  }
0x134: {  	_ =	swait.ge [sflag:s15], $0x400  }
0x135: {  	[sflag:s15] =	ssyncset.done $0x0  }
0x136: {  	[sflag:s15] =	ssyncadd.s32 $0xFFFFFC00  }
0x137: {  	[tilespmem:s18], [sflag:$0x1] =	stream.indirect.gather [hbm4b:s0+s17], $0x1, s7, s17, $0xb8;
	[tilespmem:$0x1838] =	vst v63  }
0x138: {  	_ = 	snop  }
0x139: {  	[tilespmem:s19], [sflag:$0x1] =	stream.indirect.gather [hbm4b:s0+s17], $0x1, s17, s17, $0xb8;
	[tilespmem:$0x1838] =	vst v63  }
0x13a: {  	_ = 	snop  }
0x13b: {  	[tilespmem:s21], [sflag:$0x1] =	stream.indirect.gather [hbm4b:s0+s17], $0x1, s29, s17, $0xb8;
	[tilespmem:$0x1838] =	vst v63  }
0x13c: {  	_ = 	snop  }
0x13d: {  	[tilespmem:s23], [sflag:$0x1] =	stream.indirect.gather [hbm4b:s0+s17], $0x1, s31, s17, $0xb8;
	[tilespmem:$0x1838] =	vst v63  }
0x13e: {  	s3 =	simm.s32 $0x200  }
0x13f: {  	[tilespmem:s25], [sflag:$0x1] =	stream.indirect.gather [hbm4b:s0+s17], $0x1, s3, s17, $0xb8;
	[tilespmem:$0x1838] =	vst v63  }
0x140: {  	s4 =	simm.s32 $0x280  }
0x141: {  	[tilespmem:s28], [sflag:$0x1] =	stream.indirect.gather [hbm4b:s0+s17], $0x1, s4, s17, $0xb8;
	[tilespmem:$0x1838] =	vst v63  }
0x142: {  	s9 =	simm.s32 $0x300  }
0x143: {  	[tilespmem:s30], [sflag:$0x1] =	stream.indirect.gather [hbm4b:s0+s17], $0x1, s9, s17, $0xb8;
	[tilespmem:$0x1838] =	vst v63  }
0x144: {  	s10 =	simm.s32 $0x380  }
0x145: {  	[tilespmem:s2], [sflag:$0x1] =	stream.indirect.gather [hbm4b:s0+s17], $0x1, s10, s17, $0xb8;
	[tilespmem:$0x1838] =	vst v63  }
0x146: {  	_ =	swait.ge [sflag:s5], $0x80  }
0x147: {  	[sflag:s5] =	ssyncset.done $0x0  }
0x148: {  	[sflag:s5] =	ssyncadd.s32 $0xFFFFFF80  }
0x149: {  	_ =	swait.ge [sflag:s5], $0x80  }
0x14a: {  	[sflag:s5] =	ssyncset.done $0x0  }
0x14b: {  	[sflag:s5] =	ssyncadd.s32 $0xFFFFFF80  }
0x14c: {  	_ =	swait.ge [sflag:s5], $0x80  }
0x14d: {  	[sflag:s5] =	ssyncset.done $0x0  }
0x14e: {  	[sflag:s5] =	ssyncadd.s32 $0xFFFFFF80  }
0x14f: {  	_ =	swait.ge [sflag:s5], $0x80  }
0x150: {  	[sflag:s5] =	ssyncset.done $0x0  }
0x151: {  	[sflag:s5] =	ssyncadd.s32 $0xFFFFFF80  }
0x152: {  	_ =	swait.ge [sflag:s5], $0x80  }
0x153: {  	[sflag:s5] =	ssyncset.done $0x0  }
0x154: {  	[sflag:s5] =	ssyncadd.s32 $0xFFFFFF80  }
0x155: {  	_ =	swait.ge [sflag:s5], $0x80  }
0x156: {  	[sflag:s5] =	ssyncset.done $0x0  }
0x157: {  	[sflag:s5] =	ssyncadd.s32 $0xFFFFFF80  }
0x158: {  	_ =	swait.ge [sflag:s5], $0x80  }
0x159: {  	[sflag:s5] =	ssyncset.done $0x0  }
0x15a: {  	[sflag:s5] =	ssyncadd.s32 $0xFFFFFF80  }
0x15b: {  	_ =	swait.ge [sflag:s5], $0x80  }
0x15c: {  	[sflag:s5] =	ssyncset.done $0x0  }
0x15d: {  	[sflag:s5] =	ssyncadd.s32 $0xFFFFFF80  }
0x15e: {  	[spmem:s6] =	stream.indirect.scatter.add.f32 [tilespmem:s18], [sflag:$0x2], $0x1, s16, s17, $0xb8;
	[tilespmem:$0x1838] =	vst v63  }
0x15f: {  	s8 =	simm.s32 $0x480  }
0x160: {  	[spmem:s6] =	stream.indirect.scatter.add.f32 [tilespmem:s19], [sflag:$0x2], $0x1, s8, s17, $0xb8;
	[tilespmem:$0x1838] =	vst v63  }
0x161: {  	s11 =	simm.s32 $0x500  }
0x162: {  	[spmem:s6] =	stream.indirect.scatter.add.f32 [tilespmem:s21], [sflag:$0x2], $0x1, s11, s17, $0xb8;
	[tilespmem:$0x1838] =	vst v63  }
0x163: {  	s14 =	simm.s32 $0x580  }
0x164: {  	[spmem:s6] =	stream.indirect.scatter.add.f32 [tilespmem:s23], [sflag:$0x2], $0x1, s14, s17, $0xb8;
	[tilespmem:$0x1838] =	vst v63  }
0x165: {  	s24 =	simm.s32 $0x600  }
0x166: {  	[spmem:s6] =	stream.indirect.scatter.add.f32 [tilespmem:s25], [sflag:$0x2], $0x1, s24, s17, $0xb8;
	[tilespmem:$0x1838] =	vst v63  }
0x167: {  	s26 =	simm.s32 $0x680  }
0x168: {  	[spmem:s6] =	stream.indirect.scatter.add.f32 [tilespmem:s28], [sflag:$0x2], $0x1, s26, s17, $0xb8;
	[tilespmem:$0x1838] =	vst v63  }
0x169: {  	s29 =	simm.s32 $0x700  }
0x16a: {  	[spmem:s6] =	stream.indirect.scatter.add.f32 [tilespmem:s30], [sflag:$0x2], $0x1, s29, s17, $0xb8;
	[tilespmem:$0x1838] =	vst v63  }
0x16b: {  	s31 =	simm.s32 $0x780  }
0x16c: {  	[spmem:s6] =	stream.indirect.scatter.add.f32 [tilespmem:s2], [sflag:$0x2], $0x1, s31, s17, $0xb8;
	[tilespmem:$0x1838] =	vst v63  }
0x16d: {  	_ =	swait.ge [sflag:s20], $0x80  }
0x16e: {  	[sflag:s20] =	ssyncset.done $0x0  }
0x16f: {  	[sflag:s20] =	ssyncadd.s32 $0xFFFFFF80  }
0x170: {  	_ =	swait.ge [sflag:s20], $0x80  }
0x171: {  	[sflag:s20] =	ssyncset.done $0x0  }
0x172: {  	[sflag:s20] =	ssyncadd.s32 $0xFFFFFF80  }
0x173: {  	_ =	swait.ge [sflag:s20], $0x80  }
0x174: {  	[sflag:s20] =	ssyncset.done $0x0  }
0x175: {  	[sflag:s20] =	ssyncadd.s32 $0xFFFFFF80  }
0x176: {  	_ =	swait.ge [sflag:s20], $0x80  }
0x177: {  	[sflag:s20] =	ssyncset.done $0x0  }
0x178: {  	[sflag:s20] =	ssyncadd.s32 $0xFFFFFF80  }
0x179: {  	_ =	swait.ge [sflag:s20], $0x80  }
0x17a: {  	[sflag:s20] =	ssyncset.done $0x0  }
0x17b: {  	[sflag:s20] =	ssyncadd.s32 $0xFFFFFF80  }
0x17c: {  	_ =	swait.ge [sflag:s20], $0x80  }
0x17d: {  	[sflag:s20] =	ssyncset.done $0x0  }
0x17e: {  	[sflag:s20] =	ssyncadd.s32 $0xFFFFFF80  }
0x17f: {  	_ =	swait.ge [sflag:s20], $0x80  }
0x180: {  	[sflag:s20] =	ssyncset.done $0x0  }
0x181: {  	[sflag:s20] =	ssyncadd.s32 $0xFFFFFF80  }
0x182: {  	_ =	swait.ge [sflag:s20], $0x80  }
0x183: {  	s22 =	simm.s32 $0x80;
	s24 =	simm.s32 $0x100;
	[sflag:s20] =	ssyncset.done $0x0  }
.LBB2_3:
0x184: {  	s29 =	sadd.s32 s22, s13  }
0x185: {  	[sflag:s20] =	ssyncadd.s32 $0xFFFFFF80;
	s31 =	smov.u32 s24;
	s26 =	sadd.s32 $0x80, s24  }
0x186: {  	[tilespmem:s7], [sflag:$0x3] =	stream.linear.gather [hbm4b:s29+s7], $0x400, $0x38;
	[tilespmem:$0x1838] =	vst v63  }
0x187: {  	s29 =	simm.s32 $0x100  }
0x188: {  	p1 =	seq.s32 s24, $0x1880;
	_ =	swait.ge [sflag:s15], $0x400  }
0x189: {  	s24 =	sadd.s32 s22, s12;
	[sflag:s15] =	ssyncset.done $0x0  }
0x18a: {  	s22 =	smov.u32 s31;
	s31 =	simm.s32 $0x180;
	[sflag:s15] =	ssyncadd.s32 $0xFFFFFC00  }
0x18b: {  	[tilespmem:s16], [sflag:$0x3] =	stream.linear.gather [hbm4b:s24+s7], $0x400, $0x38;
	[tilespmem:$0x1838] =	vst v63  }
0x18c: {  	_ =	swait.ge [sflag:s15], $0x400  }
0x18d: {  	[sflag:s15] =	ssyncset.done $0x0  }
0x18e: {  	[sflag:s15] =	ssyncadd.s32 $0xFFFFFC00  }
0x18f: {  	[tilespmem:s18], [sflag:$0x1] =	stream.indirect.gather [hbm4b:s0+s17], $0x1, s7, s17, $0xb8;
	[tilespmem:$0x1838] =	vst v63  }
0x190: {  	_ = 	snop  }
0x191: {  	[tilespmem:s19], [sflag:$0x1] =	stream.indirect.gather [hbm4b:s0+s17], $0x1, s17, s17, $0xb8;
	[tilespmem:$0x1838] =	vst v63  }
0x192: {  	_ = 	snop  }
0x193: {  	[tilespmem:s21], [sflag:$0x1] =	stream.indirect.gather [hbm4b:s0+s17], $0x1, s29, s17, $0xb8;
	[tilespmem:$0x1838] =	vst v63  }
0x194: {  	_ = 	snop  }
0x195: {  	[tilespmem:s23], [sflag:$0x1] =	stream.indirect.gather [hbm4b:s0+s17], $0x1, s31, s17, $0xb8;
	[tilespmem:$0x1838] =	vst v63  }
0x196: {  	_ = 	snop  }
0x197: {  	[tilespmem:s25], [sflag:$0x1] =	stream.indirect.gather [hbm4b:s0+s17], $0x1, s3, s17, $0xb8;
	[tilespmem:$0x1838] =	vst v63  }
0x198: {  	_ = 	snop  }
0x199: {  	[tilespmem:s28], [sflag:$0x1] =	stream.indirect.gather [hbm4b:s0+s17], $0x1, s4, s17, $0xb8;
	[tilespmem:$0x1838] =	vst v63  }
0x19a: {  	_ = 	snop  }
0x19b: {  	[tilespmem:s30], [sflag:$0x1] =	stream.indirect.gather [hbm4b:s0+s17], $0x1, s9, s17, $0xb8;
	[tilespmem:$0x1838] =	vst v63  }
0x19c: {  	_ = 	snop  }
0x19d: {  	[tilespmem:s2], [sflag:$0x1] =	stream.indirect.gather [hbm4b:s0+s17], $0x1, s10, s17, $0xb8;
	[tilespmem:$0x1838] =	vst v63  }
0x19e: {  	_ =	swait.ge [sflag:s5], $0x80  }
0x19f: {  	[sflag:s5] =	ssyncset.done $0x0  }
0x1a0: {  	[sflag:s5] =	ssyncadd.s32 $0xFFFFFF80  }
0x1a1: {  	_ =	swait.ge [sflag:s5], $0x80  }
0x1a2: {  	[sflag:s5] =	ssyncset.done $0x0  }
0x1a3: {  	[sflag:s5] =	ssyncadd.s32 $0xFFFFFF80  }
0x1a4: {  	_ =	swait.ge [sflag:s5], $0x80  }
0x1a5: {  	[sflag:s5] =	ssyncset.done $0x0  }
0x1a6: {  	[sflag:s5] =	ssyncadd.s32 $0xFFFFFF80  }
0x1a7: {  	_ =	swait.ge [sflag:s5], $0x80  }
0x1a8: {  	[sflag:s5] =	ssyncset.done $0x0  }
0x1a9: {  	[sflag:s5] =	ssyncadd.s32 $0xFFFFFF80  }
0x1aa: {  	_ =	swait.ge [sflag:s5], $0x80  }
0x1ab: {  	[sflag:s5] =	ssyncset.done $0x0  }
0x1ac: {  	[sflag:s5] =	ssyncadd.s32 $0xFFFFFF80  }
0x1ad: {  	_ =	swait.ge [sflag:s5], $0x80  }
0x1ae: {  	[sflag:s5] =	ssyncset.done $0x0  }
0x1af: {  	[sflag:s5] =	ssyncadd.s32 $0xFFFFFF80  }
0x1b0: {  	_ =	swait.ge [sflag:s5], $0x80  }
0x1b1: {  	[sflag:s5] =	ssyncset.done $0x0  }
0x1b2: {  	[sflag:s5] =	ssyncadd.s32 $0xFFFFFF80  }
0x1b3: {  	_ =	swait.ge [sflag:s5], $0x80  }
0x1b4: {  	[sflag:s5] =	ssyncset.done $0x0  }
0x1b5: {  	[sflag:s5] =	ssyncadd.s32 $0xFFFFFF80  }
0x1b6: {  	[spmem:s6] =	stream.indirect.scatter.add.f32 [tilespmem:s18], [sflag:$0x2], $0x1, s16, s17, $0xb8;
	[tilespmem:$0x1838] =	vst v63  }
0x1b7: {  	_ = 	snop  }
0x1b8: {  	[spmem:s6] =	stream.indirect.scatter.add.f32 [tilespmem:s19], [sflag:$0x2], $0x1, s8, s17, $0xb8;
	[tilespmem:$0x1838] =	vst v63  }
0x1b9: {  	_ = 	snop  }
0x1ba: {  	[spmem:s6] =	stream.indirect.scatter.add.f32 [tilespmem:s21], [sflag:$0x2], $0x1, s11, s17, $0xb8;
	[tilespmem:$0x1838] =	vst v63  }
0x1bb: {  	_ = 	snop  }
0x1bc: {  	[spmem:s6] =	stream.indirect.scatter.add.f32 [tilespmem:s23], [sflag:$0x2], $0x1, s14, s17, $0xb8;
	[tilespmem:$0x1838] =	vst v63  }
0x1bd: {  	s24 =	simm.s32 $0x600  }
0x1be: {  	[spmem:s6] =	stream.indirect.scatter.add.f32 [tilespmem:s25], [sflag:$0x2], $0x1, s24, s17, $0xb8;
	[tilespmem:$0x1838] =	vst v63  }
0x1bf: {  	s24 =	simm.s32 $0x680  }
0x1c0: {  	[spmem:s6] =	stream.indirect.scatter.add.f32 [tilespmem:s28], [sflag:$0x2], $0x1, s24, s17, $0xb8;
	[tilespmem:$0x1838] =	vst v63  }
0x1c1: {  	s24 =	simm.s32 $0x700  }
0x1c2: {  	[spmem:s6] =	stream.indirect.scatter.add.f32 [tilespmem:s30], [sflag:$0x2], $0x1, s24, s17, $0xb8;
	[tilespmem:$0x1838] =	vst v63  }
0x1c3: {  	s24 =	simm.s32 $0x780  }
0x1c4: {  	[spmem:s6] =	stream.indirect.scatter.add.f32 [tilespmem:s2], [sflag:$0x2], $0x1, s24, s17, $0xb8;
	[tilespmem:$0x1838] =	vst v63  }
0x1c5: {  	_ =	swait.ge [sflag:s20], $0x80  }
0x1c6: {  	[sflag:s20] =	ssyncset.done $0x0  }
0x1c7: {  	[sflag:s20] =	ssyncadd.s32 $0xFFFFFF80  }
0x1c8: {  	_ =	swait.ge [sflag:s20], $0x80  }
0x1c9: {  	[sflag:s20] =	ssyncset.done $0x0  }
0x1ca: {  	[sflag:s20] =	ssyncadd.s32 $0xFFFFFF80  }
0x1cb: {  	_ =	swait.ge [sflag:s20], $0x80  }
0x1cc: {  	[sflag:s20] =	ssyncset.done $0x0  }
0x1cd: {  	[sflag:s20] =	ssyncadd.s32 $0xFFFFFF80  }
0x1ce: {  	_ =	swait.ge [sflag:s20], $0x80  }
0x1cf: {  	[sflag:s20] =	ssyncset.done $0x0  }
0x1d0: {  	[sflag:s20] =	ssyncadd.s32 $0xFFFFFF80  }
0x1d1: {  	_ =	swait.ge [sflag:s20], $0x80  }
0x1d2: {  	[sflag:s20] =	ssyncset.done $0x0  }
0x1d3: {  	[sflag:s20] =	ssyncadd.s32 $0xFFFFFF80  }
0x1d4: {  	_ =	swait.ge [sflag:s20], $0x80  }
0x1d5: {  	[sflag:s20] =	ssyncset.done $0x0  }
0x1d6: {  	[sflag:s20] =	ssyncadd.s32 $0xFFFFFF80  }
.Ltmp5:
0x1d7: {  	_ =	swait.ge [sflag:s20], $0x80;
	(pc) =	sbr.rel @!p1 .LBB2_3-.Ltmp5, $4  }
0x1d8: {  	[sflag:s20] =	ssyncset.done $0x0  }
0x1d9: {  	[sflag:s20] =	ssyncadd.s32 $0xFFFFFF80  }
0x1da: {  	_ =	swait.ge [sflag:s20], $0x80  }
0x1db: {  	s24 =	smov.u32 s26;
	[sflag:s20] =	ssyncset.done $0x0  }
0x1dc: {  	s24 =	sadd.s32 s22, s13;
	[sflag:s20] =	ssyncadd.s32 $0xFFFFFF80  }
0x1dd: {  	[tilespmem:s7], [sflag:$0x3] =	stream.linear.gather [hbm4b:s24+s7], $0x400, $0x38;
	[tilespmem:$0x1838] =	vst v63  }
0x1de: {  	_ =	swait.ge [sflag:s15], $0x400  }
0x1df: {  	[sflag:s15] =	ssyncset.done $0x0  }
0x1e0: {  	s26 =	sadd.s32 s22, s12;
	[sflag:s15] =	ssyncadd.s32 $0xFFFFFC00  }
0x1e1: {  	[tilespmem:s16], [sflag:$0x3] =	stream.linear.gather [hbm4b:s26+s7], $0x400, $0x38;
	[tilespmem:$0x1838] =	vst v63  }
0x1e2: {  	_ =	swait.ge [sflag:s15], $0x400  }
0x1e3: {  	[sflag:s15] =	ssyncset.done $0x0  }
0x1e4: {  	[sflag:s15] =	ssyncadd.s32 $0xFFFFFC00  }
0x1e5: {  	[tilespmem:s18], [sflag:$0x1] =	stream.indirect.gather [hbm4b:s0+s17], $0x1, s7, s17, $0xb8;
	[tilespmem:$0x1838] =	vst v63  }
0x1e6: {  	_ = 	snop  }
0x1e7: {  	[tilespmem:s19], [sflag:$0x1] =	stream.indirect.gather [hbm4b:s0+s17], $0x1, s17, s17, $0xb8;
	[tilespmem:$0x1838] =	vst v63  }
0x1e8: {  	_ = 	snop  }
0x1e9: {  	[tilespmem:s21], [sflag:$0x1] =	stream.indirect.gather [hbm4b:s0+s17], $0x1, s29, s17, $0xb8;
	[tilespmem:$0x1838] =	vst v63  }
0x1ea: {  	_ = 	snop  }
0x1eb: {  	[tilespmem:s23], [sflag:$0x1] =	stream.indirect.gather [hbm4b:s0+s17], $0x1, s31, s17, $0xb8;
	[tilespmem:$0x1838] =	vst v63  }
0x1ec: {  	_ = 	snop  }
0x1ed: {  	[tilespmem:s25], [sflag:$0x1] =	stream.indirect.gather [hbm4b:s0+s17], $0x1, s3, s17, $0xb8;
	[tilespmem:$0x1838] =	vst v63  }
0x1ee: {  	_ = 	snop  }
0x1ef: {  	[tilespmem:s28], [sflag:$0x1] =	stream.indirect.gather [hbm4b:s0+s17], $0x1, s4, s17, $0xb8;
	[tilespmem:$0x1838] =	vst v63  }
0x1f0: {  	_ = 	snop  }
0x1f1: {  	[tilespmem:s30], [sflag:$0x1] =	stream.indirect.gather [hbm4b:s0+s17], $0x1, s9, s17, $0xb8;
	[tilespmem:$0x1838] =	vst v63  }
0x1f2: {  	_ = 	snop  }
0x1f3: {  	[tilespmem:s2], [sflag:$0x1] =	stream.indirect.gather [hbm4b:s0+s17], $0x1, s10, s17, $0xb8;
	[tilespmem:$0x1838] =	vst v63  }
0x1f4: {  	_ =	swait.ge [sflag:s5], $0x80  }
0x1f5: {  	[sflag:s5] =	ssyncset.done $0x0  }
0x1f6: {  	[sflag:s5] =	ssyncadd.s32 $0xFFFFFF80  }
0x1f7: {  	_ =	swait.ge [sflag:s5], $0x80  }
0x1f8: {  	[sflag:s5] =	ssyncset.done $0x0  }
0x1f9: {  	[sflag:s5] =	ssyncadd.s32 $0xFFFFFF80  }
0x1fa: {  	_ =	swait.ge [sflag:s5], $0x80  }
0x1fb: {  	[sflag:s5] =	ssyncset.done $0x0  }
0x1fc: {  	[sflag:s5] =	ssyncadd.s32 $0xFFFFFF80  }
0x1fd: {  	_ =	swait.ge [sflag:s5], $0x80  }
0x1fe: {  	[sflag:s5] =	ssyncset.done $0x0  }
0x1ff: {  	[sflag:s5] =	ssyncadd.s32 $0xFFFFFF80  }
0x200: {  	_ =	swait.ge [sflag:s5], $0x80  }
0x201: {  	[sflag:s5] =	ssyncset.done $0x0  }
0x202: {  	[sflag:s5] =	ssyncadd.s32 $0xFFFFFF80  }
0x203: {  	_ =	swait.ge [sflag:s5], $0x80  }
0x204: {  	[sflag:s5] =	ssyncset.done $0x0  }
0x205: {  	[sflag:s5] =	ssyncadd.s32 $0xFFFFFF80  }
0x206: {  	_ =	swait.ge [sflag:s5], $0x80  }
0x207: {  	[sflag:s5] =	ssyncset.done $0x0  }
0x208: {  	[sflag:s5] =	ssyncadd.s32 $0xFFFFFF80  }
0x209: {  	_ =	swait.ge [sflag:s5], $0x80  }
0x20a: {  	[sflag:s5] =	ssyncset.done $0x0  }
0x20b: {  	[sflag:s5] =	ssyncadd.s32 $0xFFFFFF80  }
0x20c: {  	[spmem:s6] =	stream.indirect.scatter.add.f32 [tilespmem:s18], [sflag:$0x2], $0x1, s16, s17, $0xb8;
	[tilespmem:$0x1838] =	vst v63  }
0x20d: {  	_ = 	snop  }
0x20e: {  	[spmem:s6] =	stream.indirect.scatter.add.f32 [tilespmem:s19], [sflag:$0x2], $0x1, s8, s17, $0xb8;
	[tilespmem:$0x1838] =	vst v63  }
0x20f: {  	_ = 	snop  }
0x210: {  	[spmem:s6] =	stream.indirect.scatter.add.f32 [tilespmem:s21], [sflag:$0x2], $0x1, s11, s17, $0xb8;
	[tilespmem:$0x1838] =	vst v63  }
0x211: {  	_ = 	snop  }
0x212: {  	[spmem:s6] =	stream.indirect.scatter.add.f32 [tilespmem:s23], [sflag:$0x2], $0x1, s14, s17, $0xb8;
	[tilespmem:$0x1838] =	vst v63  }
0x213: {  	s14 =	simm.s32 $0x600  }
0x214: {  	[spmem:s6] =	stream.indirect.scatter.add.f32 [tilespmem:s25], [sflag:$0x2], $0x1, s14, s17, $0xb8;
	[tilespmem:$0x1838] =	vst v63  }
0x215: {  	s22 =	simm.s32 $0x680  }
0x216: {  	[spmem:s6] =	stream.indirect.scatter.add.f32 [tilespmem:s28], [sflag:$0x2], $0x1, s22, s17, $0xb8;
	[tilespmem:$0x1838] =	vst v63  }
0x217: {  	s24 =	simm.s32 $0x700  }
0x218: {  	[spmem:s6] =	stream.indirect.scatter.add.f32 [tilespmem:s30], [sflag:$0x2], $0x1, s24, s17, $0xb8;
	[tilespmem:$0x1838] =	vst v63  }
0x219: {  	s26 =	simm.s32 $0x780  }
0x21a: {  	[spmem:s6] =	stream.indirect.scatter.add.f32 [tilespmem:s2], [sflag:$0x2], $0x1, s26, s17, $0xb8;
	[tilespmem:$0x1838] =	vst v63  }
0x21b: {  	_ =	swait.ge [sflag:s20], $0x80  }
0x21c: {  	[sflag:s20] =	ssyncset.done $0x0  }
0x21d: {  	[sflag:s20] =	ssyncadd.s32 $0xFFFFFF80  }
0x21e: {  	_ =	swait.ge [sflag:s20], $0x80  }
0x21f: {  	[sflag:s20] =	ssyncset.done $0x0  }
0x220: {  	[sflag:s20] =	ssyncadd.s32 $0xFFFFFF80  }
0x221: {  	_ =	swait.ge [sflag:s20], $0x80  }
0x222: {  	[sflag:s20] =	ssyncset.done $0x0  }
0x223: {  	[sflag:s20] =	ssyncadd.s32 $0xFFFFFF80  }
0x224: {  	_ =	swait.ge [sflag:s20], $0x80  }
0x225: {  	[sflag:s20] =	ssyncset.done $0x0  }
0x226: {  	[sflag:s20] =	ssyncadd.s32 $0xFFFFFF80  }
0x227: {  	_ =	swait.ge [sflag:s20], $0x80  }
0x228: {  	[sflag:s20] =	ssyncset.done $0x0  }
0x229: {  	[sflag:s20] =	ssyncadd.s32 $0xFFFFFF80  }
0x22a: {  	_ =	swait.ge [sflag:s20], $0x80  }
0x22b: {  	[sflag:s20] =	ssyncset.done $0x0  }
0x22c: {  	[sflag:s20] =	ssyncadd.s32 $0xFFFFFF80  }
0x22d: {  	_ =	swait.ge [sflag:s20], $0x80  }
0x22e: {  	[sflag:s20] =	ssyncset.done $0x0  }
.Ltmp6:
0x22f: {  	[sflag:s20] =	ssyncadd.s32 $0xFFFFFF80;
	(pc) =	sbr.rel .LBB2_8-.Ltmp6, $4  }
0x230: {  	_ =	swait.ge [sflag:s20], $0x80  }
0x231: {  	[sflag:s20] =	ssyncset.done $0x0  }
0x232: {  	s3 =	rddreg [dreg:$0xe];
	[sflag:s20] =	ssyncadd.s32 $0xFFFFFF80  }
0x233: {  	s22 =	rddreg [dreg:$0x5]  }
.LBB2_9:
0x234: {  	_ =	sfence.sel $0x180000  }
0x235: {  	[bflag:$0x0] =	sbarrier.arrive $0xFFFF  }
0x236: {  	_ =	strace $0x90000047  }
0x237: {  	s0 =	stileid.u32;
	[bflag:$0x2] =	sbarrier.arrive $0xFFFF  }
0x238: {  	p0 =	sne.s32 s0, $0x0;
	s0 =	rddreg [dreg:$0x8]  }
0x239: {  	s0 =	sadd.s32 @!p0 $0x100000, s0  }
0x23a: {  	[sflag:s0] =	ssyncadd.tile.s32 @!p0 $0x1;
	_ =	shalt  }
.Lfunc_end2:
_tile_overlayer_lowered:
.L_overlay_start_2:
0x23b: {  	(tag) =	ssettag $0x2  }
0x23c: {  	s0 =	rddreg [dreg:$0x0];
	s2 =	stileid.u32  }
0x23d: {  	s1 =	rddreg [dreg:$0x1];
	p0 =	sne.s32 s2, $0x0  }
0x23e: {  	s3 =	rddreg [dreg:$0x2];
	[bflag:$0x3] =	sbarrier.arrive $0xFFFF;
	s2 =	simm.s32 @!p0 $0x1C03  }
0x23f: {  	[timem:s3], [sflag:s2] =	dma.local @!p0 [hbm:s0], s1  }
0x240: {  	s0 =	simm.s32 @!p0 $0x3  }
0x241: {  	_ =	swait.ge @!p0 [sflag:s0], s1  }
0x242: {  	s1 =	ssub.s32 @!p0 $0x0, s1;
	[sflag:s0] =	ssyncset.done @!p0 $0x0  }
0x243: {  	[sflag:s0] =	ssyncadd.s32 @!p0 s1  }
0x244: {  	[bflag:$0x3] =	sbarrier.arrive $0xFFFF  }
0x245: {  	_ =	shalt  }

</sc_bundles>
